<compile_context>
chip_gen: v7x
topology: tpu7x:2x2x1
jax: 0.10.2.dev20260603
libtpu: 0.0.44.dev20260713+nightly
codegen_flags: <defaults>
</compile_context>

<pallas_src>
import functools

import jax
import jax.numpy as jnp
from jax import lax
from jax.experimental import pallas as pl
from jax.experimental.pallas import tpu as pltpu
from jax.experimental.pallas import tpu_sc as plsc

_NUM_CORES = 2
_NUM_SUBCORES = 16
_NUM_WORKERS = _NUM_CORES * _NUM_SUBCORES
_LANES = 16

_CH = 512
_CH_SHIFT = 9
_NSTAGE = 8


@functools.cache
def _build(batch: int, dim: int, pool: int):
    n_full = pool // _CH
    tail = pool - n_full * _CH
    base_per_w = n_full // _NUM_WORKERS
    extra = n_full - base_per_w * _NUM_WORKERS
    id_pieces = batch // 1024
    out_rows = batch + _LANES
    bshift = (batch - 1).bit_length()
    dump0 = batch + _LANES
    mesh = plsc.VectorSubcoreMesh(
        core_axis_name="c",
        subcore_axis_name="s",
        num_cores=_NUM_CORES,
        num_subcores=_NUM_SUBCORES,
    )

    @functools.partial(
        pl.kernel,
        mesh=mesh,
        out_type=jax.ShapeDtypeStruct((out_rows, 2 * dim), jnp.float32),
        scratch_types=[
            pltpu.VMEM((1024,), jnp.int32),
            pltpu.VMEM((batch + 2 * _LANES,), jnp.int32),
            pltpu.VMEM((batch + 2 * _LANES,), jnp.int32),
            pltpu.VMEM((2, dim, _CH), jnp.float32),
            pltpu.VMEM((dim, tail), jnp.float32),
            pltpu.VMEM((_NSTAGE, _LANES, 2 * dim), jnp.float32),
            pltpu.VMEM((_NSTAGE, _LANES), jnp.int32),
            pltpu.SemaphoreType.DMA,
            pltpu.SemaphoreType.DMA,
            pltpu.SemaphoreType.DMA,
        ],
        compiler_params=pltpu.CompilerParams(needs_layout_passes=False),
    )
    def gather_kernel(
        ids_hbm,
        tableT_hbm,
        tailT_hbm,
        outp_hbm,
        idp_v,
        hit_v,
        chit_v,
        chunk_v,
        tail_v,
        stage_v,
        sidx_v,
        sem_c0,
        sem_c1,
        sem_s,
    ):
        wid = lax.axis_index("s") * _NUM_CORES + lax.axis_index("c")
        is_last = wid == _NUM_WORKERS - 1
        my_n = jnp.where(wid < extra, base_per_w + 1, base_per_w)
        cg0 = jnp.where(
            wid < extra,
            wid * (base_per_w + 1),
            extra * (base_per_w + 1) + (wid - extra) * base_per_w,
        )
        lo = cg0 * _CH
        hi = jnp.where(is_last, pool, (cg0 + my_n) * _CH)
        lanes = lax.iota(jnp.int32, _LANES)

        def scan_piece(p, ptr):
            pltpu.sync_copy(ids_hbm.at[pl.ds(p * 1024, 1024)], idp_v)

            def scan_vreg(k, ptr):
                v = idp_v[pl.ds(k * _LANES, _LANES)]
                b = p * 1024 + k * _LANES + lanes
                m = (v >= lo) & (v < hi)
                mi = m.astype(jnp.int32)
                packed = lax.shift_left(v - lo, bshift) | b
                pos = jnp.where(m, ptr + jnp.cumsum(mi) - 1, dump0 + lanes)
                plsc.store_scatter(hit_v, [pos], packed)
                return ptr + jnp.sum(mi)

            return lax.fori_loop(0, 1024 // _LANES, scan_vreg, ptr)

        n_w = lax.fori_loop(0, id_pieces, scan_piece, jnp.int32(0))
        hpad = (n_w // _LANES) * _LANES
        hv = hit_v[pl.ds(hpad, _LANES)]
        hit_v[pl.ds(hpad, _LANES)] = jnp.where(hpad + lanes >= n_w, -1, hv)
        n_hgroups = (n_w + _LANES - 1) // _LANES

        sems = (sem_c0, sem_c1)

        def chunk_start(c, buf):
            pltpu.async_copy(
                tableT_hbm.at[:, pl.ds((cg0 + c) * _CH, _CH)],
                chunk_v.at[buf],
                sems[buf],
            )

        def chunk_wait(buf):
            pltpu.make_async_copy(
                tableT_hbm.at[:, pl.ds(0, _CH)], chunk_v.at[buf], sems[buf]
            ).wait()

        @pl.when(my_n > 0)
        def _():
            chunk_start(jnp.int32(0), 0)

        @pl.when(is_last)
        def _():
            pltpu.sync_copy(tailT_hbm, tail_v)

        def compact_chunk(c):

            def compact(k, cptr):
                v = hit_v[pl.ds(k * _LANES, _LANES)]
                m = lax.shift_right_logical(v, _CH_SHIFT + bshift) == c
                mi = m.astype(jnp.int32)
                pos = jnp.where(m, cptr + jnp.cumsum(mi) - 1, dump0 + lanes)
                plsc.store_scatter(chit_v, [pos], v)
                return cptr + jnp.sum(mi)

            return lax.fori_loop(0, n_hgroups, compact, jnp.int32(0))

        def extract_groups(n_c, g_tot, from_tail, buf):
            n_groups = (n_c + _LANES - 1) // _LANES

            def per_group(g, g_tot):
                sbuf = lax.rem(g_tot, _NSTAGE)

                @pl.when(g_tot > 0)
                def _():
                    pltpu.make_async_copy(
                        stage_v.at[0], outp_hbm.at[sidx_v.at[0]], sem_s
                    ).wait()

                packed = chit_v[pl.ds(g * _LANES, _LANES)]
                cols = lax.shift_right_logical(packed, bshift) & (_CH - 1)
                bpos = packed & (batch - 1)
                sidx_v[sbuf] = jnp.where(
                    g * _LANES + lanes < n_c, bpos, jnp.int32(batch) + lanes
                )

                def per_word(j, _):
                    if from_tail:
                        w = plsc.load_gather(tail_v, [jnp.full((_LANES,), j), cols])
                    else:
                        w = plsc.load_gather(
                            chunk_v.at[buf], [jnp.full((_LANES,), j), cols]
                        )
                    plsc.store_scatter(
                        stage_v,
                        [jnp.full((_LANES,), sbuf), lanes, jnp.full((_LANES,), j)],
                        w,
                    )
                    return _

                lax.fori_loop(0, dim, per_word, jnp.int32(0))
                pltpu.async_copy(
                    stage_v.at[sbuf], outp_hbm.at[sidx_v.at[sbuf]], sem_s
                )
                return g_tot + 1

            return lax.fori_loop(0, n_groups, per_group, g_tot)

        max_chunks = base_per_w + (1 if extra else 0)
        n_pairs = (max_chunks + 1) // 2

        def chunk_step(c, g_tot, buf):
            @pl.when(c + 1 < my_n)
            def _():
                chunk_start(c + 1, 1 - buf)

            @pl.when(c < my_n)
            def _():
                chunk_wait(buf)

            n_c = compact_chunk(c)
            return extract_groups(n_c, g_tot, False, buf)

        def per_pair(p, g_tot):
            g_tot = chunk_step(2 * p, g_tot, 0)
            return chunk_step(2 * p + 1, g_tot, 1)

        g_tot = lax.fori_loop(0, n_pairs, per_pair, jnp.int32(0))

        @pl.when(is_last)
        def _():
            n_c = compact_chunk(my_n)
            g2 = extract_groups(n_c, g_tot, True, 0)

            rem = jnp.minimum(g2, 1)

            def drain(i, _):
                pltpu.make_async_copy(
                    stage_v.at[0], outp_hbm.at[sidx_v.at[0]], sem_s
                ).wait()
                return _

            lax.fori_loop(0, rem, drain, jnp.int32(0))

        @pl.when(jnp.logical_not(is_last))
        def _():
            rem = jnp.minimum(g_tot, 1)

            def drain(i, _):
                pltpu.make_async_copy(
                    stage_v.at[0], outp_hbm.at[sidx_v.at[0]], sem_s
                ).wait()
                return _

            lax.fori_loop(0, rem, drain, jnp.int32(0))

    return gather_kernel


def kernel(ids, table):
    batch = ids.shape[0]
    pool, dim = table.shape
    n_full = pool // _CH
    ids32 = ids.astype(jnp.int32)
    tableT = table.T
    tailT = tableT[:, n_full * _CH :]
    outp = _build(batch, dim, pool)(ids32, tableT, tailT)
    return outp[:batch, :dim]

# --- scband reference (transcript-rebuilt; emitter-appended) ---
"""Pipeline reference for scband-uvmcaching-float-lookup-21199958573818 (READ-ONLY COPY).

The authoritative reference and input builder live on the scoring server;
editing this copy changes nothing except your own understanding.
"""

import jax, jax.numpy as jnp
import numpy as np

POOL_SIZE = 1000000
DIM = 64
BATCH = 16384

def setup_inputs(seed: int = 0) -> dict:
    key = jax.random.key(seed)
    k_ids, k_tbl = jax.random.split(key)
    ids = jax.random.randint(k_ids, (BATCH,), 0, POOL_SIZE, dtype=jnp.int64 if jax.config.jax_enable_x64 else jnp.int32)
    table = jax.random.normal(k_tbl, (POOL_SIZE, DIM), dtype=jnp.float32) * 0.02
    return {"ids": ids, "table": table}

def reference(ids, table):
    # UVMCachingFloatLookup.lookup: TBE with PoolingMode.NONE over a single
    # embedding table is equivalent to a plain row gather: table[ids].
    return jnp.take(table, ids, axis=0)

if __name__ == "__main__":
    import jax
    _d = setup_inputs()
    print(jax.jit(kernel)(*tuple(_d.values())))

</pallas_src>

<mosaic_0001>
#map = affine_map<(d0, d1) -> (0)>
#map1 = affine_map<(d0, d1) -> (0, 0)>
module attributes {stable_mosaic.version = 14 : i64} {
  func.func @gather_kernel(%arg0: i32, %arg1: i32, %arg2: memref<16384xi32, #tpu.memory_space<hbm>>, %arg3: memref<64x1000000xf32, #tpu.memory_space<hbm>>, %arg4: memref<64x64xf32, #tpu.memory_space<hbm>>, %arg5: memref<16400x128xf32, #tpu.memory_space<hbm>>, %arg6: memref<1024xi32, #tpu.memory_space<vmem>>, %arg7: memref<16416xi32, #tpu.memory_space<vmem>>, %arg8: memref<16416xi32, #tpu.memory_space<vmem>>, %arg9: memref<2x64x512xf32, #tpu.memory_space<vmem>>, %arg10: memref<64x64xf32, #tpu.memory_space<vmem>>, %arg11: memref<8x16x128xf32, #tpu.memory_space<vmem>>, %arg12: memref<8x16xi32, #tpu.memory_space<vmem>>, %arg13: memref<!tpu.dma_semaphore, #tpu.memory_space<semaphore_mem>>, %arg14: memref<!tpu.dma_semaphore, #tpu.memory_space<semaphore_mem>>, %arg15: memref<!tpu.dma_semaphore, #tpu.memory_space<semaphore_mem>>) attributes {dimension_semantics = [#tpu.dimension_semantics<core_parallel>, #tpu.dimension_semantics<subcore_parallel>], iteration_bounds = array<i64: 2, 16>, scalar_prefetch = 0 : i64, scratch_operands = 10 : i64, tpu.core_type = #tpu.core_type<sc_vector_subcore>, window_params = [{transform_indices = #map}, {transform_indices = #map1}, {transform_indices = #map1}, {transform_indices = #map1}]} {
    %mul3A = arith.constant 2 : i32
    %mul3A_0 = arith.muli %arg1, %mul3A : i32
    %add3A = arith.addi %mul3A_0, %arg0 : i32
    %eq3A = arith.constant 31 : i32
    %eq3A_1 = arith.cmpi eq, %add3A, %eq3A : i32
    %lt3A = arith.constant 1 : i32
    %lt3A_2 = arith.cmpi slt, %add3A, %lt3A : i32
    %jit3A = arith.constant 62 : i32
    %jit3A_3 = arith.constant 61 : i32
    %select_n3A = arith.select %lt3A_2, %jit3A, %jit3A_3 : i32
    %lt3A_4 = arith.constant 1 : i32
    %lt3A_5 = arith.cmpi slt, %add3A, %lt3A_4 : i32
    %mul3A_6 = arith.constant 62 : i32
    %mul3A_7 = arith.muli %add3A, %mul3A_6 : i32
    %sub3A = arith.constant 1 : i32
    %sub3A_8 = arith.subi %add3A, %sub3A : i32
    %mul3A_9 = arith.constant 61 : i32
    %mul3A_10 = arith.muli %sub3A_8, %mul3A_9 : i32
    %add3A_11 = arith.constant 62 : i32
    %add3A_12 = arith.addi %add3A_11, %mul3A_10 : i32
    %select_n3A_13 = arith.select %lt3A_5, %mul3A_7, %add3A_12 : i32
    %mul3A_14 = arith.constant 512 : i32
    %mul3A_15 = arith.muli %select_n3A_13, %mul3A_14 : i32
    %add3A_16 = arith.addi %select_n3A_13, %select_n3A : i32
    %mul3A_17 = arith.constant 512 : i32
    %mul3A_18 = arith.muli %add3A_16, %mul3A_17 : i32
    %jit3A_19 = arith.constant 1000000 : i32
    %select_n3A_20 = arith.select %eq3A_1, %jit3A_19, %mul3A_18 : i32
    %iota3A = tpu.iota {dimensions = array<i32: 0>} : vector<16xi32>
    %scan3A = arith.constant 0 : i32
    %scan3A_21 = arith.constant 0 : i32
    %scan3A_22 = arith.constant 16 : i32
    %scan3A_23 = arith.addi %scan3A_21, %scan3A_22 : i32
    %scan3A_24 = arith.constant 1 : i32
    %scan3A_25 = scf.for %scan3A_102 = %scan3A_21 to %scan3A_23 step %scan3A_24 iter_args(%scan3A_103 = %scan3A) -> (i32)  : i32 {
      %mul3A_104 = arith.constant 1024 : i32
      %mul3A_105 = arith.muli %scan3A_102, %mul3A_104 : i32
      "tpu.region"() ({
        %run_scoped3A = tpu.sem_alloc : memref<!tpu.dma_semaphore, #tpu.memory_space<semaphore_mem>>
        %dma_start3A = tpu.memref_slice %arg2[%mul3A_105] : memref<16384xi32, #tpu.memory_space<hbm>> -> memref<1024xi32, #tpu.memory_space<hbm>>
        %dma_start3A_112 = tpu.memref_slice %arg2[%mul3A_105] : memref<16384xi32, #tpu.memory_space<hbm>> -> memref<1024xi32, #tpu.memory_space<hbm>>
        tpu.enqueue_dma source(%dma_start3A_112 : memref<1024xi32, #tpu.memory_space<hbm>>) target(%arg6 : memref<1024xi32, #tpu.memory_space<vmem>>) target_semaphore(%run_scoped3A : memref<!tpu.dma_semaphore, #tpu.memory_space<semaphore_mem>>)
        %dma_wait3A = tpu.memref_slice %arg2[%mul3A_105] : memref<16384xi32, #tpu.memory_space<hbm>> -> memref<1024xi32, #tpu.memory_space<hbm>>
        %dma_wait3A_113 = tpu.memref_slice %arg2[%mul3A_105] : memref<16384xi32, #tpu.memory_space<hbm>> -> memref<1024xi32, #tpu.memory_space<hbm>>
        tpu.wait_dma2 semaphore(%run_scoped3A : memref<!tpu.dma_semaphore, #tpu.memory_space<semaphore_mem>>) src(%dma_wait3A_113 : memref<1024xi32, #tpu.memory_space<hbm>>) dst(%arg6 : memref<1024xi32, #tpu.memory_space<vmem>>)
        tpu.yield
      }) : () -> ()
      %scan3A_106 = arith.constant 0 : i32
      %scan3A_107 = arith.constant 64 : i32
      %scan3A_108 = arith.addi %scan3A_106, %scan3A_107 : i32
      %scan3A_109 = arith.constant 1 : i32
      %scan3A_110 = scf.for %scan3A_112 = %scan3A_106 to %scan3A_108 step %scan3A_109 iter_args(%scan3A_113 = %scan3A_103) -> (i32)  : i32 {
        %mul3A_114 = arith.constant 16 : i32
        %mul3A_115 = arith.muli %scan3A_112, %mul3A_114 : i32
        %get3A_116 = arith.index_cast %mul3A_115 : i32 to index
        %get3A_117 = tpu.vector_load %arg6[%get3A_116] {strides = array<i32>} : memref<1024xi32, #tpu.memory_space<vmem>>, vector<16xi32>,
        %mul3A_118 = arith.constant 1024 : i32
        %mul3A_119 = arith.muli %scan3A_102, %mul3A_118 : i32
        %mul3A_120 = arith.constant 16 : i32
        %mul3A_121 = arith.muli %scan3A_112, %mul3A_120 : i32
        %add3A_122 = arith.addi %mul3A_119, %mul3A_121 : i32
        %add3A_123 = vector.broadcast %add3A_122 : i32 to vector<16xi32>
        %add3A_124 = arith.addi %add3A_123, %iota3A : vector<16xi32>
        %ge3A_125 = vector.broadcast %mul3A_15 : i32 to vector<16xi32>
        %ge3A_126 = arith.cmpi sge, %get3A_117, %ge3A_125 : vector<16xi32>
        %lt3A_127 = vector.broadcast %select_n3A_20 : i32 to vector<16xi32>
        %lt3A_128 = arith.cmpi slt, %get3A_117, %lt3A_127 : vector<16xi32>
        %and3A_129 = arith.andi %ge3A_126, %lt3A_128 : vector<16xi1>
        %convert_element_type3A_130 = arith.extui %and3A_129 : vector<16xi1> to vector<16xi32>
        %sub3A_131 = vector.broadcast %mul3A_15 : i32 to vector<16xi32>
        %sub3A_132 = arith.subi %get3A_117, %sub3A_131 : vector<16xi32>
        %shift_left3A = arith.constant 14 : i32
        %shift_left3A_133 = vector.broadcast %shift_left3A : i32 to vector<16xi32>
        %shift_left3A_134 = arith.shli %sub3A_132, %shift_left3A_133 : vector<16xi32>
        %or3A = arith.ori %shift_left3A_134, %add3A_124 : vector<16xi32>
        %cumsum3A = arith.constant true
        %cumsum3A_135 = vector.broadcast %cumsum3A : i1 to vector<16xi1>
        %cumsum3A_136 = tpu.scan <sum>, %convert_element_type3A_130 masked %cumsum3A_135 : vector<16xi32>, vector<16xi1> -> vector<16xi32>
        %add3A_137 = vector.broadcast %scan3A_113 : i32 to vector<16xi32>
        %add3A_138 = arith.addi %add3A_137, %cumsum3A_136 : vector<16xi32>
        %sub3A_139 = arith.constant 1 : i32
        %sub3A_140 = vector.broadcast %sub3A_139 : i32 to vector<16xi32>
        %sub3A_141 = arith.subi %add3A_138, %sub3A_140 : vector<16xi32>
        %add3A_142 = arith.constant 16400 : i32
        %add3A_143 = vector.broadcast %add3A_142 : i32 to vector<16xi32>
        %add3A_144 = arith.addi %add3A_143, %iota3A : vector<16xi32>
        %select_n3A_145 = arith.select %and3A_129, %sub3A_141, %add3A_144 : vector<16xi1>, vector<16xi32>
        tpu.vector_store_idx %arg7[%select_n3A_145], %or3A : memref<16416xi32, #tpu.memory_space<vmem>>[vector<16xi32>], vector<16xi32>,
        %reduce_sum3A = arith.constant true
        %reduce_sum3A_146 = vector.broadcast %reduce_sum3A : i1 to vector<16xi1>
        %reduce_sum3A_147 = tpu.scan <sum>, %convert_element_type3A_130 masked %reduce_sum3A_146 : vector<16xi32>, vector<16xi1> -> vector<16xi32>
        %reduce_sum3A_148 = vector.extract %reduce_sum3A_147[15] : i32 from vector<16xi32>
        %add3A_149 = arith.addi %scan3A_113, %reduce_sum3A_148 : i32
        scf.yield %add3A_149 : i32
      }
      %scan3A_111 = arith.constant 64 : i32
      scf.yield %scan3A_110 : i32
    }
    %scan3A_26 = arith.constant 16 : i32
    %jit3A_27 = arith.constant 16 : i32
    %div3A = arith.divsi %scan3A_25, %jit3A_27 : i32
    %sign3A = arith.constant 0 : i32
    %sign3A_28 = arith.cmpi sgt, %scan3A_25, %sign3A : i32
    %sign3A_29 = arith.extui %sign3A_28 : i1 to i32
    %sign3A_30 = arith.constant 0 : i32
    %sign3A_31 = arith.cmpi slt, %scan3A_25, %sign3A_30 : i32
    %sign3A_32 = arith.extui %sign3A_31 : i1 to i32
    %sign3A_33 = arith.subi %sign3A_29, %sign3A_32 : i32
    %sign3A_34 = arith.constant 0 : i32
    %sign3A_35 = arith.cmpi sgt, %jit3A_27, %sign3A_34 : i32
    %sign3A_36 = arith.extui %sign3A_35 : i1 to i32
    %sign3A_37 = arith.constant 0 : i32
    %sign3A_38 = arith.cmpi slt, %jit3A_27, %sign3A_37 : i32
    %sign3A_39 = arith.extui %sign3A_38 : i1 to i32
    %sign3A_40 = arith.subi %sign3A_36, %sign3A_39 : i32
    %ne3A = arith.cmpi ne, %sign3A_33, %sign3A_40 : i32
    %rem3A = arith.remsi %scan3A_25, %jit3A_27 : i32
    %ne3A_41 = arith.constant 0 : i32
    %ne3A_42 = arith.cmpi ne, %rem3A, %ne3A_41 : i32
    %and3A = arith.andi %ne3A, %ne3A_42 : i1
    %sub3A_43 = arith.constant 1 : i32
    %sub3A_44 = arith.subi %div3A, %sub3A_43 : i32
    %select_n3A_45 = arith.select %and3A, %sub3A_44, %div3A : i32
    %mul3A_46 = arith.constant 16 : i32
    %mul3A_47 = arith.muli %select_n3A_45, %mul3A_46 : i32
    %get3A = arith.index_cast %mul3A_47 : i32 to index
    %get3A_48 = tpu.vector_load %arg7[%get3A] {strides = array<i32>} : memref<16416xi32, #tpu.memory_space<vmem>>, vector<16xi32>,
    %add3A_49 = vector.broadcast %mul3A_47 : i32 to vector<16xi32>
    %add3A_50 = arith.addi %add3A_49, %iota3A : vector<16xi32>
    %ge3A = vector.broadcast %scan3A_25 : i32 to vector<16xi32>
    %ge3A_51 = arith.cmpi sge, %add3A_50, %ge3A : vector<16xi32>
    %jit3A_52 = arith.constant -1 : i32
    %broadcast_in_dim3A = vector.broadcast %jit3A_52 : i32 to vector<16xi32>
    %select_n3A_53 = arith.select %ge3A_51, %broadcast_in_dim3A, %get3A_48 : vector<16xi1>, vector<16xi32>
    %swap3A = arith.index_cast %mul3A_47 : i32 to index
    %swap3A_54 = tpu.vector_load %arg7[%swap3A] {strides = array<i32>} : memref<16416xi32, #tpu.memory_space<vmem>>, vector<16xi32>,
    tpu.vector_store %arg7[%swap3A], %select_n3A_53 {strides = array<i32>} : memref<16416xi32, #tpu.memory_space<vmem>>, vector<16xi32>,
    %add3A_55 = arith.constant 16 : i32
    %add3A_56 = arith.addi %scan3A_25, %add3A_55 : i32
    %sub3A_57 = arith.constant 1 : i32
    %sub3A_58 = arith.subi %add3A_56, %sub3A_57 : i32
    %jit3A_59 = arith.constant 16 : i32
    %div3A_60 = arith.divsi %sub3A_58, %jit3A_59 : i32
    %sign3A_61 = arith.constant 0 : i32
    %sign3A_62 = arith.cmpi sgt, %sub3A_58, %sign3A_61 : i32
    %sign3A_63 = arith.extui %sign3A_62 : i1 to i32
    %sign3A_64 = arith.constant 0 : i32
    %sign3A_65 = arith.cmpi slt, %sub3A_58, %sign3A_64 : i32
    %sign3A_66 = arith.extui %sign3A_65 : i1 to i32
    %sign3A_67 = arith.subi %sign3A_63, %sign3A_66 : i32
    %sign3A_68 = arith.constant 0 : i32
    %sign3A_69 = arith.cmpi sgt, %jit3A_59, %sign3A_68 : i32
    %sign3A_70 = arith.extui %sign3A_69 : i1 to i32
    %sign3A_71 = arith.constant 0 : i32
    %sign3A_72 = arith.cmpi slt, %jit3A_59, %sign3A_71 : i32
    %sign3A_73 = arith.extui %sign3A_72 : i1 to i32
    %sign3A_74 = arith.subi %sign3A_70, %sign3A_73 : i32
    %ne3A_75 = arith.cmpi ne, %sign3A_67, %sign3A_74 : i32
    %rem3A_76 = arith.remsi %sub3A_58, %jit3A_59 : i32
    %ne3A_77 = arith.constant 0 : i32
    %ne3A_78 = arith.cmpi ne, %rem3A_76, %ne3A_77 : i32
    %and3A_79 = arith.andi %ne3A_75, %ne3A_78 : i1
    %sub3A_80 = arith.constant 1 : i32
    %sub3A_81 = arith.subi %div3A_60, %sub3A_80 : i32
    %select_n3A_82 = arith.select %and3A_79, %sub3A_81, %div3A_60 : i32
    %gt3A = arith.constant 0 : i32
    %gt3A_83 = arith.cmpi sgt, %select_n3A, %gt3A : i32
    %convert_element_type3A = arith.extui %gt3A_83 : i1 to i32
    %cond3A = arith.constant 0 : i32
    %cond3A_84 = arith.cmpi ne, %convert_element_type3A, %cond3A : i32
    scf.if %cond3A_84 {
      %add3A_102 = arith.constant 0 : i32
      %add3A_103 = arith.addi %select_n3A_13, %add3A_102 : i32
      %mul3A_104 = arith.constant 512 : i32
      %mul3A_105 = arith.muli %add3A_103, %mul3A_104 : i32
      %dma_start3A = arith.constant 0 : i32
      %dma_start3A_106 = arith.constant 0 : i32
      %dma_start3A_107 = arith.constant 0 : i32
      %dma_start3A_108 = tpu.memref_slice %arg9[%dma_start3A, %dma_start3A_106, %dma_start3A_107] : memref<2x64x512xf32, #tpu.memory_space<vmem>> -> memref<1x64x512xf32, #tpu.memory_space<vmem>>
      %dma_start3A_109 = tpu.memref_squeeze %dma_start3A_108 : memref<1x64x512xf32, #tpu.memory_space<vmem>> -> memref<64x512xf32, #tpu.memory_space<vmem>>
      %dma_start3A_110 = arith.constant 0 : i32
      %dma_start3A_111 = tpu.memref_slice %arg3[%dma_start3A_110, %mul3A_105] : memref<64x1000000xf32, #tpu.memory_space<hbm>> -> memref<64x512xf32, #tpu.memory_space<hbm>>
      %dma_start3A_112 = arith.constant 0 : i32
      %dma_start3A_113 = arith.constant 0 : i32
      %dma_start3A_114 = tpu.memref_slice %arg9[%dma_start3A, %dma_start3A_112, %dma_start3A_113] : memref<2x64x512xf32, #tpu.memory_space<vmem>> -> memref<1x64x512xf32, #tpu.memory_space<vmem>>
      %dma_start3A_115 = tpu.memref_squeeze %dma_start3A_114 : memref<1x64x512xf32, #tpu.memory_space<vmem>> -> memref<64x512xf32, #tpu.memory_space<vmem>>
      %dma_start3A_116 = arith.constant 0 : i32
      %dma_start3A_117 = tpu.memref_slice %arg3[%dma_start3A_116, %mul3A_105] : memref<64x1000000xf32, #tpu.memory_space<hbm>> -> memref<64x512xf32, #tpu.memory_space<hbm>>
      tpu.enqueue_dma source(%dma_start3A_117 : memref<64x512xf32, #tpu.memory_space<hbm>>) target(%dma_start3A_115 : memref<64x512xf32, #tpu.memory_space<vmem>>) target_semaphore(%arg13 : memref<!tpu.dma_semaphore, #tpu.memory_space<semaphore_mem>>)
    } else {
    }
    %convert_element_type3A_85 = arith.extui %eq3A_1 : i1 to i32
    %cond3A_86 = arith.constant 0 : i32
    %cond3A_87 = arith.cmpi ne, %convert_element_type3A_85, %cond3A_86 : i32
    scf.if %cond3A_87 {
      "tpu.region"() ({
        %run_scoped3A = tpu.sem_alloc : memref<!tpu.dma_semaphore, #tpu.memory_space<semaphore_mem>>
        tpu.enqueue_dma source(%arg4 : memref<64x64xf32, #tpu.memory_space<hbm>>) target(%arg10 : memref<64x64xf32, #tpu.memory_space<vmem>>) target_semaphore(%run_scoped3A : memref<!tpu.dma_semaphore, #tpu.memory_space<semaphore_mem>>)
        tpu.wait_dma2 semaphore(%run_scoped3A : memref<!tpu.dma_semaphore, #tpu.memory_space<semaphore_mem>>) src(%arg4 : memref<64x64xf32, #tpu.memory_space<hbm>>) dst(%arg10 : memref<64x64xf32, #tpu.memory_space<vmem>>)
        tpu.yield
      }) : () -> ()
    } else {
    }
    %scan3A_88 = arith.constant 0 : i32
    %scan3A_89 = arith.constant 0 : i32
    %scan3A_90 = arith.constant 31 : i32
    %scan3A_91 = arith.addi %scan3A_89, %scan3A_90 : i32
    %scan3A_92 = arith.constant 1 : i32
    %scan3A_93 = scf.for %scan3A_102 = %scan3A_89 to %scan3A_91 step %scan3A_92 iter_args(%scan3A_103 = %scan3A_88) -> (i32)  : i32 {
      %mul3A_104 = arith.constant 2 : i32
      %mul3A_105 = arith.muli %mul3A_104, %scan3A_102 : i32
      %add3A_106 = arith.constant 1 : i32
      %add3A_107 = arith.addi %mul3A_105, %add3A_106 : i32
      %lt3A_108 = arith.cmpi slt, %add3A_107, %select_n3A : i32
      %convert_element_type3A_109 = arith.extui %lt3A_108 : i1 to i32
      %cond3A_110 = arith.constant 0 : i32
      %cond3A_111 = arith.cmpi ne, %convert_element_type3A_109, %cond3A_110 : i32
      scf.if %cond3A_111 {
        %add3A_231 = arith.constant 1 : i32
        %add3A_232 = arith.addi %mul3A_105, %add3A_231 : i32
        %add3A_233 = arith.addi %select_n3A_13, %add3A_232 : i32
        %mul3A_234 = arith.constant 512 : i32
        %mul3A_235 = arith.muli %add3A_233, %mul3A_234 : i32
        %dma_start3A = arith.constant 1 : i32
        %dma_start3A_236 = arith.constant 0 : i32
        %dma_start3A_237 = arith.constant 0 : i32
        %dma_start3A_238 = tpu.memref_slice %arg9[%dma_start3A, %dma_start3A_236, %dma_start3A_237] : memref<2x64x512xf32, #tpu.memory_space<vmem>> -> memref<1x64x512xf32, #tpu.memory_space<vmem>>
        %dma_start3A_239 = tpu.memref_squeeze %dma_start3A_238 : memref<1x64x512xf32, #tpu.memory_space<vmem>> -> memref<64x512xf32, #tpu.memory_space<vmem>>
        %dma_start3A_240 = arith.constant 0 : i32
        %dma_start3A_241 = tpu.memref_slice %arg3[%dma_start3A_240, %mul3A_235] : memref<64x1000000xf32, #tpu.memory_space<hbm>> -> memref<64x512xf32, #tpu.memory_space<hbm>>
        %dma_start3A_242 = arith.constant 0 : i32
        %dma_start3A_243 = arith.constant 0 : i32
        %dma_start3A_244 = tpu.memref_slice %arg9[%dma_start3A, %dma_start3A_242, %dma_start3A_243] : memref<2x64x512xf32, #tpu.memory_space<vmem>> -> memref<1x64x512xf32, #tpu.memory_space<vmem>>
        %dma_start3A_245 = tpu.memref_squeeze %dma_start3A_244 : memref<1x64x512xf32, #tpu.memory_space<vmem>> -> memref<64x512xf32, #tpu.memory_space<vmem>>
        %dma_start3A_246 = arith.constant 0 : i32
        %dma_start3A_247 = tpu.memref_slice %arg3[%dma_start3A_246, %mul3A_235] : memref<64x1000000xf32, #tpu.memory_space<hbm>> -> memref<64x512xf32, #tpu.memory_space<hbm>>
        tpu.enqueue_dma source(%dma_start3A_247 : memref<64x512xf32, #tpu.memory_space<hbm>>) target(%dma_start3A_245 : memref<64x512xf32, #tpu.memory_space<vmem>>) target_semaphore(%arg14 : memref<!tpu.dma_semaphore, #tpu.memory_space<semaphore_mem>>)
      } else {
      }
      %lt3A_112 = arith.cmpi slt, %mul3A_105, %select_n3A : i32
      %convert_element_type3A_113 = arith.extui %lt3A_112 : i1 to i32
      %cond3A_114 = arith.constant 0 : i32
      %cond3A_115 = arith.cmpi ne, %convert_element_type3A_113, %cond3A_114 : i32
      scf.if %cond3A_115 {
        %dma_wait3A = arith.constant 0 : i32
        %dma_wait3A_231 = arith.constant 0 : i32
        %dma_wait3A_232 = arith.constant 0 : i32
        %dma_wait3A_233 = tpu.memref_slice %arg9[%dma_wait3A, %dma_wait3A_231, %dma_wait3A_232] : memref<2x64x512xf32, #tpu.memory_space<vmem>> -> memref<1x64x512xf32, #tpu.memory_space<vmem>>
        %dma_wait3A_234 = tpu.memref_squeeze %dma_wait3A_233 : memref<1x64x512xf32, #tpu.memory_space<vmem>> -> memref<64x512xf32, #tpu.memory_space<vmem>>
        %dma_wait3A_235 = arith.constant 0 : i32
        %dma_wait3A_236 = arith.constant 0 : i32
        %dma_wait3A_237 = tpu.memref_slice %arg3[%dma_wait3A_235, %dma_wait3A_236] : memref<64x1000000xf32, #tpu.memory_space<hbm>> -> memref<64x512xf32, #tpu.memory_space<hbm>>
        %dma_wait3A_238 = arith.constant 0 : i32
        %dma_wait3A_239 = arith.constant 0 : i32
        %dma_wait3A_240 = tpu.memref_slice %arg9[%dma_wait3A, %dma_wait3A_238, %dma_wait3A_239] : memref<2x64x512xf32, #tpu.memory_space<vmem>> -> memref<1x64x512xf32, #tpu.memory_space<vmem>>
        %dma_wait3A_241 = tpu.memref_squeeze %dma_wait3A_240 : memref<1x64x512xf32, #tpu.memory_space<vmem>> -> memref<64x512xf32, #tpu.memory_space<vmem>>
        %dma_wait3A_242 = arith.constant 0 : i32
        %dma_wait3A_243 = arith.constant 0 : i32
        %dma_wait3A_244 = tpu.memref_slice %arg3[%dma_wait3A_242, %dma_wait3A_243] : memref<64x1000000xf32, #tpu.memory_space<hbm>> -> memref<64x512xf32, #tpu.memory_space<hbm>>
        tpu.wait_dma2 semaphore(%arg13 : memref<!tpu.dma_semaphore, #tpu.memory_space<semaphore_mem>>) src(%dma_wait3A_244 : memref<64x512xf32, #tpu.memory_space<hbm>>) dst(%dma_wait3A_241 : memref<64x512xf32, #tpu.memory_space<vmem>>)
      } else {
      }
      %while3A = arith.constant 0 : i32
      %while3A_116 = arith.constant 0 : i32
      %while3A_117 = arith.subi %select_n3A_82, %while3A : i32
      %while3A_118 = arith.addi %while3A, %while3A_117 : i32
      %while3A_119 = arith.constant 1 : i32
      %while3A_120 = arith.divsi %while3A_117, %while3A_119 : i32
      %while3A_121 = arith.muli %while3A_120, %while3A_119 : i32
      %while3A_122 = arith.addi %while3A, %while3A_121 : i32
      %while3A_123 = arith.constant 1 : i32
      %while3A_124 = scf.for %while3A_231 = %while3A to %while3A_122 step %while3A_123 iter_args(%while3A_232 = %while3A_116) -> (i32)  : i32 {
        %mul3A_233 = arith.constant 16 : i32
        %mul3A_234 = arith.muli %while3A_231, %mul3A_233 : i32
        %get3A_235 = arith.index_cast %mul3A_234 : i32 to index
        %get3A_236 = tpu.vector_load %arg7[%get3A_235] {strides = array<i32>} : memref<16416xi32, #tpu.memory_space<vmem>>, vector<16xi32>,
        %shift_right_logical3A = arith.constant 23 : i32
        %shift_right_logical3A_237 = vector.broadcast %shift_right_logical3A : i32 to vector<16xi32>
        %shift_right_logical3A_238 = arith.shrui %get3A_236, %shift_right_logical3A_237 : vector<16xi32>
        %eq3A_239 = vector.broadcast %mul3A_105 : i32 to vector<16xi32>
        %eq3A_240 = arith.cmpi eq, %shift_right_logical3A_238, %eq3A_239 : vector<16xi32>
        %convert_element_type3A_241 = arith.extui %eq3A_240 : vector<16xi1> to vector<16xi32>
        %cumsum3A = arith.constant true
        %cumsum3A_242 = vector.broadcast %cumsum3A : i1 to vector<16xi1>
        %cumsum3A_243 = tpu.scan <sum>, %convert_element_type3A_241 masked %cumsum3A_242 : vector<16xi32>, vector<16xi1> -> vector<16xi32>
        %add3A_244 = vector.broadcast %while3A_232 : i32 to vector<16xi32>
        %add3A_245 = arith.addi %add3A_244, %cumsum3A_243 : vector<16xi32>
        %sub3A_246 = arith.constant 1 : i32
        %sub3A_247 = vector.broadcast %sub3A_246 : i32 to vector<16xi32>
        %sub3A_248 = arith.subi %add3A_245, %sub3A_247 : vector<16xi32>
        %add3A_249 = arith.constant 16400 : i32
        %add3A_250 = vector.broadcast %add3A_249 : i32 to vector<16xi32>
        %add3A_251 = arith.addi %add3A_250, %iota3A : vector<16xi32>
        %select_n3A_252 = arith.select %eq3A_240, %sub3A_248, %add3A_251 : vector<16xi1>, vector<16xi32>
        tpu.vector_store_idx %arg8[%select_n3A_252], %get3A_236 : memref<16416xi32, #tpu.memory_space<vmem>>[vector<16xi32>], vector<16xi32>,
        %reduce_sum3A = arith.constant true
        %reduce_sum3A_253 = vector.broadcast %reduce_sum3A : i1 to vector<16xi1>
        %reduce_sum3A_254 = tpu.scan <sum>, %convert_element_type3A_241 masked %reduce_sum3A_253 : vector<16xi32>, vector<16xi1> -> vector<16xi32>
        %reduce_sum3A_255 = vector.extract %reduce_sum3A_254[15] : i32 from vector<16xi32>
        %add3A_256 = arith.addi %while3A_232, %reduce_sum3A_255 : i32
        scf.yield %add3A_256 : i32
      }
      %while3A_125 = arith.constant 1 : i32
      %while3A_126 = scf.for %while3A_231 = %while3A_122 to %while3A_118 step %while3A_125 iter_args(%while3A_232 = %while3A_124) -> (i32)  : i32 {
        %mul3A_233 = arith.constant 16 : i32
        %mul3A_234 = arith.muli %while3A_231, %mul3A_233 : i32
        %get3A_235 = arith.index_cast %mul3A_234 : i32 to index
        %get3A_236 = tpu.vector_load %arg7[%get3A_235] {strides = array<i32>} : memref<16416xi32, #tpu.memory_space<vmem>>, vector<16xi32>,
        %shift_right_logical3A = arith.constant 23 : i32
        %shift_right_logical3A_237 = vector.broadcast %shift_right_logical3A : i32 to vector<16xi32>
        %shift_right_logical3A_238 = arith.shrui %get3A_236, %shift_right_logical3A_237 : vector<16xi32>
        %eq3A_239 = vector.broadcast %mul3A_105 : i32 to vector<16xi32>
        %eq3A_240 = arith.cmpi eq, %shift_right_logical3A_238, %eq3A_239 : vector<16xi32>
        %convert_element_type3A_241 = arith.extui %eq3A_240 : vector<16xi1> to vector<16xi32>
        %cumsum3A = arith.constant true
        %cumsum3A_242 = vector.broadcast %cumsum3A : i1 to vector<16xi1>
        %cumsum3A_243 = tpu.scan <sum>, %convert_element_type3A_241 masked %cumsum3A_242 : vector<16xi32>, vector<16xi1> -> vector<16xi32>
        %add3A_244 = vector.broadcast %while3A_232 : i32 to vector<16xi32>
        %add3A_245 = arith.addi %add3A_244, %cumsum3A_243 : vector<16xi32>
        %sub3A_246 = arith.constant 1 : i32
        %sub3A_247 = vector.broadcast %sub3A_246 : i32 to vector<16xi32>
        %sub3A_248 = arith.subi %add3A_245, %sub3A_247 : vector<16xi32>
        %add3A_249 = arith.constant 16400 : i32
        %add3A_250 = vector.broadcast %add3A_249 : i32 to vector<16xi32>
        %add3A_251 = arith.addi %add3A_250, %iota3A : vector<16xi32>
        %select_n3A_252 = arith.select %eq3A_240, %sub3A_248, %add3A_251 : vector<16xi1>, vector<16xi32>
        tpu.vector_store_idx %arg8[%select_n3A_252], %get3A_236 : memref<16416xi32, #tpu.memory_space<vmem>>[vector<16xi32>], vector<16xi32>,
        %reduce_sum3A = arith.constant true
        %reduce_sum3A_253 = vector.broadcast %reduce_sum3A : i1 to vector<16xi1>
        %reduce_sum3A_254 = tpu.scan <sum>, %convert_element_type3A_241 masked %reduce_sum3A_253 : vector<16xi32>, vector<16xi1> -> vector<16xi32>
        %reduce_sum3A_255 = vector.extract %reduce_sum3A_254[15] : i32 from vector<16xi32>
        %add3A_256 = arith.addi %while3A_232, %reduce_sum3A_255 : i32
        scf.yield %add3A_256 : i32
      }
      %add3A_127 = arith.constant 16 : i32
      %add3A_128 = arith.addi %while3A_126, %add3A_127 : i32
      %sub3A_129 = arith.constant 1 : i32
      %sub3A_130 = arith.subi %add3A_128, %sub3A_129 : i32
      %jit3A_131 = arith.constant 16 : i32
      %div3A_132 = arith.divsi %sub3A_130, %jit3A_131 : i32
      %sign3A_133 = arith.constant 0 : i32
      %sign3A_134 = arith.cmpi sgt, %sub3A_130, %sign3A_133 : i32
      %sign3A_135 = arith.extui %sign3A_134 : i1 to i32
      %sign3A_136 = arith.constant 0 : i32
      %sign3A_137 = arith.cmpi slt, %sub3A_130, %sign3A_136 : i32
      %sign3A_138 = arith.extui %sign3A_137 : i1 to i32
      %sign3A_139 = arith.subi %sign3A_135, %sign3A_138 : i32
      %sign3A_140 = arith.constant 0 : i32
      %sign3A_141 = arith.cmpi sgt, %jit3A_131, %sign3A_140 : i32
      %sign3A_142 = arith.extui %sign3A_141 : i1 to i32
      %sign3A_143 = arith.constant 0 : i32
      %sign3A_144 = arith.cmpi slt, %jit3A_131, %sign3A_143 : i32
      %sign3A_145 = arith.extui %sign3A_144 : i1 to i32
      %sign3A_146 = arith.subi %sign3A_142, %sign3A_145 : i32
      %ne3A_147 = arith.cmpi ne, %sign3A_139, %sign3A_146 : i32
      %rem3A_148 = arith.remsi %sub3A_130, %jit3A_131 : i32
      %ne3A_149 = arith.constant 0 : i32
      %ne3A_150 = arith.cmpi ne, %rem3A_148, %ne3A_149 : i32
      %and3A_151 = arith.andi %ne3A_147, %ne3A_150 : i1
      %sub3A_152 = arith.constant 1 : i32
      %sub3A_153 = arith.subi %div3A_132, %sub3A_152 : i32
      %select_n3A_154 = arith.select %and3A_151, %sub3A_153, %div3A_132 : i32
      %while3A_155 = arith.constant 0 : i32
      %while3A_156 = arith.subi %select_n3A_154, %while3A_155 : i32
      %while3A_157 = arith.addi %while3A_155, %while3A_156 : i32
      %while3A_158 = arith.constant 1 : i32
      %while3A_159 = arith.divsi %while3A_156, %while3A_158 : i32
      %while3A_160 = arith.muli %while3A_159, %while3A_158 : i32
      %while3A_161 = arith.addi %while3A_155, %while3A_160 : i32
      %while3A_162 = arith.constant 1 : i32
      %while3A_163 = scf.for %while3A_231 = %while3A_155 to %while3A_161 step %while3A_162 iter_args(%while3A_232 = %scan3A_103) -> (i32)  : i32 {
        %rem3A_233 = arith.constant 8 : i32
        %rem3A_234 = arith.remsi %while3A_232, %rem3A_233 : i32
        %gt3A_235 = arith.constant 0 : i32
        %gt3A_236 = arith.cmpi sgt, %while3A_232, %gt3A_235 : i32
        %convert_element_type3A_237 = arith.extui %gt3A_236 : i1 to i32
        %cond3A_238 = arith.constant 0 : i32
        %cond3A_239 = arith.cmpi ne, %convert_element_type3A_237, %cond3A_238 : i32
        scf.if %cond3A_239 {
          %dma_wait3A = arith.constant 0 : i32
          %dma_wait3A_282 = arith.constant 0 : i32
          %dma_wait3A_283 = arith.constant 0 : i32
          %dma_wait3A_284 = arith.constant 0 : i32
          %dma_wait3A_285 = tpu.memref_slice %arg11[%dma_wait3A, %dma_wait3A_283, %dma_wait3A_284] : memref<8x16x128xf32, #tpu.memory_space<vmem>> -> memref<1x16x128xf32, #tpu.memory_space<vmem>>
          %dma_wait3A_286 = tpu.memref_squeeze %dma_wait3A_285 : memref<1x16x128xf32, #tpu.memory_space<vmem>> -> memref<16x128xf32, #tpu.memory_space<vmem>>
          %dma_wait3A_287 = arith.constant 0 : i32
          %dma_wait3A_288 = tpu.memref_slice %arg12[%dma_wait3A_282, %dma_wait3A_287] : memref<8x16xi32, #tpu.memory_space<vmem>> -> memref<1x16xi32, #tpu.memory_space<vmem>>
          %dma_wait3A_289 = tpu.memref_squeeze %dma_wait3A_288 : memref<1x16xi32, #tpu.memory_space<vmem>> -> memref<16xi32, #tpu.memory_space<vmem>>
          %dma_wait3A_290 = arith.constant 0 : i32
          %dma_wait3A_291 = arith.constant 0 : i32
          %dma_wait3A_292 = tpu.memref_slice %arg5[%dma_wait3A_290, %dma_wait3A_291] : memref<16400x128xf32, #tpu.memory_space<hbm>> -> memref<16400x128xf32, #tpu.memory_space<hbm>>
          tpu.wait_indirect_dma semaphore(%arg15 : memref<!tpu.dma_semaphore, #tpu.memory_space<semaphore_mem>>) src(%dma_wait3A_286 : memref<16x128xf32, #tpu.memory_space<vmem>>) dst(%dma_wait3A_292 : memref<16400x128xf32, #tpu.memory_space<hbm>>)
        } else {
        }
        %mul3A_240 = arith.constant 16 : i32
        %mul3A_241 = arith.muli %while3A_231, %mul3A_240 : i32
        %get3A_242 = arith.index_cast %mul3A_241 : i32 to index
        %get3A_243 = tpu.vector_load %arg8[%get3A_242] {strides = array<i32>} : memref<16416xi32, #tpu.memory_space<vmem>>, vector<16xi32>,
        %shift_right_logical3A = arith.constant 14 : i32
        %shift_right_logical3A_244 = vector.broadcast %shift_right_logical3A : i32 to vector<16xi32>
        %shift_right_logical3A_245 = arith.shrui %get3A_243, %shift_right_logical3A_244 : vector<16xi32>
        %and3A_246 = arith.constant 511 : i32
        %and3A_247 = vector.broadcast %and3A_246 : i32 to vector<16xi32>
        %and3A_248 = arith.andi %shift_right_logical3A_245, %and3A_247 : vector<16xi32>
        %and3A_249 = arith.constant 16383 : i32
        %and3A_250 = vector.broadcast %and3A_249 : i32 to vector<16xi32>
        %and3A_251 = arith.andi %get3A_243, %and3A_250 : vector<16xi32>
        %mul3A_252 = arith.constant 16 : i32
        %mul3A_253 = arith.muli %while3A_231, %mul3A_252 : i32
        %add3A_254 = vector.broadcast %mul3A_253 : i32 to vector<16xi32>
        %add3A_255 = arith.addi %add3A_254, %iota3A : vector<16xi32>
        %lt3A_256 = vector.broadcast %while3A_126 : i32 to vector<16xi32>
        %lt3A_257 = arith.cmpi slt, %add3A_255, %lt3A_256 : vector<16xi32>
        %add3A_258 = arith.constant 16384 : i32
        %add3A_259 = vector.broadcast %add3A_258 : i32 to vector<16xi32>
        %add3A_260 = arith.addi %add3A_259, %iota3A : vector<16xi32>
        %select_n3A_261 = arith.select %lt3A_257, %and3A_251, %add3A_260 : vector<16xi1>, vector<16xi32>
        %swap3A_262 = arith.index_cast %rem3A_234 : i32 to index
        %swap3A_263 = arith.constant 0 : index
        %swap3A_264 = tpu.vector_load %arg12[%swap3A_262, %swap3A_263] {strides = array<i32>} : memref<8x16xi32, #tpu.memory_space<vmem>>, vector<16xi32>,
        tpu.vector_store %arg12[%swap3A_262, %swap3A_263], %select_n3A_261 {strides = array<i32>} : memref<8x16xi32, #tpu.memory_space<vmem>>, vector<16xi32>,
        %scan3A_265 = arith.constant 0 : i32
        %scan3A_266 = arith.constant 0 : i32
        %scan3A_267 = arith.constant 64 : i32
        %scan3A_268 = arith.addi %scan3A_266, %scan3A_267 : i32
        %scan3A_269 = arith.constant 1 : i32
        scf.for %scan3A_282 = %scan3A_266 to %scan3A_268 step %scan3A_269  : i32 {
          %broadcast_in_dim3A_283 = vector.broadcast %scan3A_282 : i32 to vector<16xi32>
          %gather3A = arith.constant 0 : i32
          %gather3A_284 = arith.constant 0 : i32
          %gather3A_285 = arith.constant 0 : i32
          %gather3A_286 = tpu.memref_slice %arg9[%gather3A, %gather3A_284, %gather3A_285] : memref<2x64x512xf32, #tpu.memory_space<vmem>> -> memref<1x64x512xf32, #tpu.memory_space<vmem>>
          %gather3A_287 = tpu.memref_squeeze %gather3A_286 : memref<1x64x512xf32, #tpu.memory_space<vmem>> -> memref<64x512xf32, #tpu.memory_space<vmem>>
          %gather3A_288 = tpu.vector_load_idx %gather3A_287[%broadcast_in_dim3A_283, %and3A_248] : memref<64x512xf32, #tpu.memory_space<vmem>>[vector<16xi32>, vector<16xi32>], vector<16xf32>,
          %broadcast_in_dim3A_289 = vector.broadcast %rem3A_234 : i32 to vector<16xi32>
          %broadcast_in_dim3A_290 = vector.broadcast %scan3A_282 : i32 to vector<16xi32>
          tpu.vector_store_idx %arg11[%broadcast_in_dim3A_289, %iota3A, %broadcast_in_dim3A_290], %gather3A_288 : memref<8x16x128xf32, #tpu.memory_space<vmem>>[vector<16xi32>, vector<16xi32>, vector<16xi32>], vector<16xf32>,
        }
        %scan3A_270 = arith.constant 64 : i32
        %dma_start3A = arith.constant 0 : i32
        %dma_start3A_271 = arith.constant 0 : i32
        %dma_start3A_272 = tpu.memref_slice %arg11[%rem3A_234, %dma_start3A, %dma_start3A_271] : memref<8x16x128xf32, #tpu.memory_space<vmem>> -> memref<1x16x128xf32, #tpu.memory_space<vmem>>
        %dma_start3A_273 = tpu.memref_squeeze %dma_start3A_272 : memref<1x16x128xf32, #tpu.memory_space<vmem>> -> memref<16x128xf32, #tpu.memory_space<vmem>>
        %dma_start3A_274 = arith.constant 0 : i32
        %dma_start3A_275 = tpu.memref_slice %arg12[%rem3A_234, %dma_start3A_274] : memref<8x16xi32, #tpu.memory_space<vmem>> -> memref<1x16xi32, #tpu.memory_space<vmem>>
        %dma_start3A_276 = tpu.memref_squeeze %dma_start3A_275 : memref<1x16xi32, #tpu.memory_space<vmem>> -> memref<16xi32, #tpu.memory_space<vmem>>
        %dma_start3A_277 = arith.constant 0 : i32
        %dma_start3A_278 = arith.constant 0 : i32
        %dma_start3A_279 = tpu.memref_slice %arg5[%dma_start3A_277, %dma_start3A_278] : memref<16400x128xf32, #tpu.memory_space<hbm>> -> memref<16400x128xf32, #tpu.memory_space<hbm>>
        tpu.enqueue_indirect_dma source(%dma_start3A_273 : memref<16x128xf32, #tpu.memory_space<vmem>>) target(%dma_start3A_279 : memref<16400x128xf32, #tpu.memory_space<hbm>>) offsets(%dma_start3A_276 : memref<16xi32, #tpu.memory_space<vmem>>) semaphore(%arg15 : memref<!tpu.dma_semaphore, #tpu.memory_space<semaphore_mem>>)
        %add3A_280 = arith.constant 1 : i32
        %add3A_281 = arith.addi %while3A_232, %add3A_280 : i32
        scf.yield %add3A_281 : i32
      }
      %while3A_164 = arith.constant 1 : i32
      %while3A_165 = scf.for %while3A_231 = %while3A_161 to %while3A_157 step %while3A_164 iter_args(%while3A_232 = %while3A_163) -> (i32)  : i32 {
        %rem3A_233 = arith.constant 8 : i32
        %rem3A_234 = arith.remsi %while3A_232, %rem3A_233 : i32
        %gt3A_235 = arith.constant 0 : i32
        %gt3A_236 = arith.cmpi sgt, %while3A_232, %gt3A_235 : i32
        %convert_element_type3A_237 = arith.extui %gt3A_236 : i1 to i32
        %cond3A_238 = arith.constant 0 : i32
        %cond3A_239 = arith.cmpi ne, %convert_element_type3A_237, %cond3A_238 : i32
        scf.if %cond3A_239 {
          %dma_wait3A = arith.constant 0 : i32
          %dma_wait3A_282 = arith.constant 0 : i32
          %dma_wait3A_283 = arith.constant 0 : i32
          %dma_wait3A_284 = arith.constant 0 : i32
          %dma_wait3A_285 = tpu.memref_slice %arg11[%dma_wait3A, %dma_wait3A_283, %dma_wait3A_284] : memref<8x16x128xf32, #tpu.memory_space<vmem>> -> memref<1x16x128xf32, #tpu.memory_space<vmem>>
          %dma_wait3A_286 = tpu.memref_squeeze %dma_wait3A_285 : memref<1x16x128xf32, #tpu.memory_space<vmem>> -> memref<16x128xf32, #tpu.memory_space<vmem>>
          %dma_wait3A_287 = arith.constant 0 : i32
          %dma_wait3A_288 = tpu.memref_slice %arg12[%dma_wait3A_282, %dma_wait3A_287] : memref<8x16xi32, #tpu.memory_space<vmem>> -> memref<1x16xi32, #tpu.memory_space<vmem>>
          %dma_wait3A_289 = tpu.memref_squeeze %dma_wait3A_288 : memref<1x16xi32, #tpu.memory_space<vmem>> -> memref<16xi32, #tpu.memory_space<vmem>>
          %dma_wait3A_290 = arith.constant 0 : i32
          %dma_wait3A_291 = arith.constant 0 : i32
          %dma_wait3A_292 = tpu.memref_slice %arg5[%dma_wait3A_290, %dma_wait3A_291] : memref<16400x128xf32, #tpu.memory_space<hbm>> -> memref<16400x128xf32, #tpu.memory_space<hbm>>
          tpu.wait_indirect_dma semaphore(%arg15 : memref<!tpu.dma_semaphore, #tpu.memory_space<semaphore_mem>>) src(%dma_wait3A_286 : memref<16x128xf32, #tpu.memory_space<vmem>>) dst(%dma_wait3A_292 : memref<16400x128xf32, #tpu.memory_space<hbm>>)
        } else {
        }
        %mul3A_240 = arith.constant 16 : i32
        %mul3A_241 = arith.muli %while3A_231, %mul3A_240 : i32
        %get3A_242 = arith.index_cast %mul3A_241 : i32 to index
        %get3A_243 = tpu.vector_load %arg8[%get3A_242] {strides = array<i32>} : memref<16416xi32, #tpu.memory_space<vmem>>, vector<16xi32>,
        %shift_right_logical3A = arith.constant 14 : i32
        %shift_right_logical3A_244 = vector.broadcast %shift_right_logical3A : i32 to vector<16xi32>
        %shift_right_logical3A_245 = arith.shrui %get3A_243, %shift_right_logical3A_244 : vector<16xi32>
        %and3A_246 = arith.constant 511 : i32
        %and3A_247 = vector.broadcast %and3A_246 : i32 to vector<16xi32>
        %and3A_248 = arith.andi %shift_right_logical3A_245, %and3A_247 : vector<16xi32>
        %and3A_249 = arith.constant 16383 : i32
        %and3A_250 = vector.broadcast %and3A_249 : i32 to vector<16xi32>
        %and3A_251 = arith.andi %get3A_243, %and3A_250 : vector<16xi32>
        %mul3A_252 = arith.constant 16 : i32
        %mul3A_253 = arith.muli %while3A_231, %mul3A_252 : i32
        %add3A_254 = vector.broadcast %mul3A_253 : i32 to vector<16xi32>
        %add3A_255 = arith.addi %add3A_254, %iota3A : vector<16xi32>
        %lt3A_256 = vector.broadcast %while3A_126 : i32 to vector<16xi32>
        %lt3A_257 = arith.cmpi slt, %add3A_255, %lt3A_256 : vector<16xi32>
        %add3A_258 = arith.constant 16384 : i32
        %add3A_259 = vector.broadcast %add3A_258 : i32 to vector<16xi32>
        %add3A_260 = arith.addi %add3A_259, %iota3A : vector<16xi32>
        %select_n3A_261 = arith.select %lt3A_257, %and3A_251, %add3A_260 : vector<16xi1>, vector<16xi32>
        %swap3A_262 = arith.index_cast %rem3A_234 : i32 to index
        %swap3A_263 = arith.constant 0 : index
        %swap3A_264 = tpu.vector_load %arg12[%swap3A_262, %swap3A_263] {strides = array<i32>} : memref<8x16xi32, #tpu.memory_space<vmem>>, vector<16xi32>,
        tpu.vector_store %arg12[%swap3A_262, %swap3A_263], %select_n3A_261 {strides = array<i32>} : memref<8x16xi32, #tpu.memory_space<vmem>>, vector<16xi32>,
        %scan3A_265 = arith.constant 0 : i32
        %scan3A_266 = arith.constant 0 : i32
        %scan3A_267 = arith.constant 64 : i32
        %scan3A_268 = arith.addi %scan3A_266, %scan3A_267 : i32
        %scan3A_269 = arith.constant 1 : i32
        scf.for %scan3A_282 = %scan3A_266 to %scan3A_268 step %scan3A_269  : i32 {
          %broadcast_in_dim3A_283 = vector.broadcast %scan3A_282 : i32 to vector<16xi32>
          %gather3A = arith.constant 0 : i32
          %gather3A_284 = arith.constant 0 : i32
          %gather3A_285 = arith.constant 0 : i32
          %gather3A_286 = tpu.memref_slice %arg9[%gather3A, %gather3A_284, %gather3A_285] : memref<2x64x512xf32, #tpu.memory_space<vmem>> -> memref<1x64x512xf32, #tpu.memory_space<vmem>>
          %gather3A_287 = tpu.memref_squeeze %gather3A_286 : memref<1x64x512xf32, #tpu.memory_space<vmem>> -> memref<64x512xf32, #tpu.memory_space<vmem>>
          %gather3A_288 = tpu.vector_load_idx %gather3A_287[%broadcast_in_dim3A_283, %and3A_248] : memref<64x512xf32, #tpu.memory_space<vmem>>[vector<16xi32>, vector<16xi32>], vector<16xf32>,
          %broadcast_in_dim3A_289 = vector.broadcast %rem3A_234 : i32 to vector<16xi32>
          %broadcast_in_dim3A_290 = vector.broadcast %scan3A_282 : i32 to vector<16xi32>
          tpu.vector_store_idx %arg11[%broadcast_in_dim3A_289, %iota3A, %broadcast_in_dim3A_290], %gather3A_288 : memref<8x16x128xf32, #tpu.memory_space<vmem>>[vector<16xi32>, vector<16xi32>, vector<16xi32>], vector<16xf32>,
        }
        %scan3A_270 = arith.constant 64 : i32
        %dma_start3A = arith.constant 0 : i32
        %dma_start3A_271 = arith.constant 0 : i32
        %dma_start3A_272 = tpu.memref_slice %arg11[%rem3A_234, %dma_start3A, %dma_start3A_271] : memref<8x16x128xf32, #tpu.memory_space<vmem>> -> memref<1x16x128xf32, #tpu.memory_space<vmem>>
        %dma_start3A_273 = tpu.memref_squeeze %dma_start3A_272 : memref<1x16x128xf32, #tpu.memory_space<vmem>> -> memref<16x128xf32, #tpu.memory_space<vmem>>
        %dma_start3A_274 = arith.constant 0 : i32
        %dma_start3A_275 = tpu.memref_slice %arg12[%rem3A_234, %dma_start3A_274] : memref<8x16xi32, #tpu.memory_space<vmem>> -> memref<1x16xi32, #tpu.memory_space<vmem>>
        %dma_start3A_276 = tpu.memref_squeeze %dma_start3A_275 : memref<1x16xi32, #tpu.memory_space<vmem>> -> memref<16xi32, #tpu.memory_space<vmem>>
        %dma_start3A_277 = arith.constant 0 : i32
        %dma_start3A_278 = arith.constant 0 : i32
        %dma_start3A_279 = tpu.memref_slice %arg5[%dma_start3A_277, %dma_start3A_278] : memref<16400x128xf32, #tpu.memory_space<hbm>> -> memref<16400x128xf32, #tpu.memory_space<hbm>>
        tpu.enqueue_indirect_dma source(%dma_start3A_273 : memref<16x128xf32, #tpu.memory_space<vmem>>) target(%dma_start3A_279 : memref<16400x128xf32, #tpu.memory_space<hbm>>) offsets(%dma_start3A_276 : memref<16xi32, #tpu.memory_space<vmem>>) semaphore(%arg15 : memref<!tpu.dma_semaphore, #tpu.memory_space<semaphore_mem>>)
        %add3A_280 = arith.constant 1 : i32
        %add3A_281 = arith.addi %while3A_232, %add3A_280 : i32
        scf.yield %add3A_281 : i32
      }
      %mul3A_166 = arith.constant 2 : i32
      %mul3A_167 = arith.muli %mul3A_166, %scan3A_102 : i32
      %add3A_168 = arith.constant 1 : i32
      %add3A_169 = arith.addi %mul3A_167, %add3A_168 : i32
      %add3A_170 = arith.constant 1 : i32
      %add3A_171 = arith.addi %add3A_169, %add3A_170 : i32
      %lt3A_172 = arith.cmpi slt, %add3A_171, %select_n3A : i32
      %convert_element_type3A_173 = arith.extui %lt3A_172 : i1 to i32
      %cond3A_174 = arith.constant 0 : i32
      %cond3A_175 = arith.cmpi ne, %convert_element_type3A_173, %cond3A_174 : i32
      scf.if %cond3A_175 {
        %add3A_231 = arith.constant 1 : i32
        %add3A_232 = arith.addi %add3A_169, %add3A_231 : i32
        %add3A_233 = arith.addi %select_n3A_13, %add3A_232 : i32
        %mul3A_234 = arith.constant 512 : i32
        %mul3A_235 = arith.muli %add3A_233, %mul3A_234 : i32
        %dma_start3A = arith.constant 0 : i32
        %dma_start3A_236 = arith.constant 0 : i32
        %dma_start3A_237 = arith.constant 0 : i32
        %dma_start3A_238 = tpu.memref_slice %arg9[%dma_start3A, %dma_start3A_236, %dma_start3A_237] : memref<2x64x512xf32, #tpu.memory_space<vmem>> -> memref<1x64x512xf32, #tpu.memory_space<vmem>>
        %dma_start3A_239 = tpu.memref_squeeze %dma_start3A_238 : memref<1x64x512xf32, #tpu.memory_space<vmem>> -> memref<64x512xf32, #tpu.memory_space<vmem>>
        %dma_start3A_240 = arith.constant 0 : i32
        %dma_start3A_241 = tpu.memref_slice %arg3[%dma_start3A_240, %mul3A_235] : memref<64x1000000xf32, #tpu.memory_space<hbm>> -> memref<64x512xf32, #tpu.memory_space<hbm>>
        %dma_start3A_242 = arith.constant 0 : i32
        %dma_start3A_243 = arith.constant 0 : i32
        %dma_start3A_244 = tpu.memref_slice %arg9[%dma_start3A, %dma_start3A_242, %dma_start3A_243] : memref<2x64x512xf32, #tpu.memory_space<vmem>> -> memref<1x64x512xf32, #tpu.memory_space<vmem>>
        %dma_start3A_245 = tpu.memref_squeeze %dma_start3A_244 : memref<1x64x512xf32, #tpu.memory_space<vmem>> -> memref<64x512xf32, #tpu.memory_space<vmem>>
        %dma_start3A_246 = arith.constant 0 : i32
        %dma_start3A_247 = tpu.memref_slice %arg3[%dma_start3A_246, %mul3A_235] : memref<64x1000000xf32, #tpu.memory_space<hbm>> -> memref<64x512xf32, #tpu.memory_space<hbm>>
        tpu.enqueue_dma source(%dma_start3A_247 : memref<64x512xf32, #tpu.memory_space<hbm>>) target(%dma_start3A_245 : memref<64x512xf32, #tpu.memory_space<vmem>>) target_semaphore(%arg13 : memref<!tpu.dma_semaphore, #tpu.memory_space<semaphore_mem>>)
      } else {
      }
      %lt3A_176 = arith.cmpi slt, %add3A_169, %select_n3A : i32
      %convert_element_type3A_177 = arith.extui %lt3A_176 : i1 to i32
      %cond3A_178 = arith.constant 0 : i32
      %cond3A_179 = arith.cmpi ne, %convert_element_type3A_177, %cond3A_178 : i32
      scf.if %cond3A_179 {
        %dma_wait3A = arith.constant 1 : i32
        %dma_wait3A_231 = arith.constant 0 : i32
        %dma_wait3A_232 = arith.constant 0 : i32
        %dma_wait3A_233 = tpu.memref_slice %arg9[%dma_wait3A, %dma_wait3A_231, %dma_wait3A_232] : memref<2x64x512xf32, #tpu.memory_space<vmem>> -> memref<1x64x512xf32, #tpu.memory_space<vmem>>
        %dma_wait3A_234 = tpu.memref_squeeze %dma_wait3A_233 : memref<1x64x512xf32, #tpu.memory_space<vmem>> -> memref<64x512xf32, #tpu.memory_space<vmem>>
        %dma_wait3A_235 = arith.constant 0 : i32
        %dma_wait3A_236 = arith.constant 0 : i32
        %dma_wait3A_237 = tpu.memref_slice %arg3[%dma_wait3A_235, %dma_wait3A_236] : memref<64x1000000xf32, #tpu.memory_space<hbm>> -> memref<64x512xf32, #tpu.memory_space<hbm>>
        %dma_wait3A_238 = arith.constant 0 : i32
        %dma_wait3A_239 = arith.constant 0 : i32
        %dma_wait3A_240 = tpu.memref_slice %arg9[%dma_wait3A, %dma_wait3A_238, %dma_wait3A_239] : memref<2x64x512xf32, #tpu.memory_space<vmem>> -> memref<1x64x512xf32, #tpu.memory_space<vmem>>
        %dma_wait3A_241 = tpu.memref_squeeze %dma_wait3A_240 : memref<1x64x512xf32, #tpu.memory_space<vmem>> -> memref<64x512xf32, #tpu.memory_space<vmem>>
        %dma_wait3A_242 = arith.constant 0 : i32
        %dma_wait3A_243 = arith.constant 0 : i32
        %dma_wait3A_244 = tpu.memref_slice %arg3[%dma_wait3A_242, %dma_wait3A_243] : memref<64x1000000xf32, #tpu.memory_space<hbm>> -> memref<64x512xf32, #tpu.memory_space<hbm>>
        tpu.wait_dma2 semaphore(%arg14 : memref<!tpu.dma_semaphore, #tpu.memory_space<semaphore_mem>>) src(%dma_wait3A_244 : memref<64x512xf32, #tpu.memory_space<hbm>>) dst(%dma_wait3A_241 : memref<64x512xf32, #tpu.memory_space<vmem>>)
      } else {
      }
      %while3A_180 = arith.constant 0 : i32
      %while3A_181 = arith.constant 0 : i32
      %while3A_182 = arith.subi %select_n3A_82, %while3A_180 : i32
      %while3A_183 = arith.addi %while3A_180, %while3A_182 : i32
      %while3A_184 = arith.constant 1 : i32
      %while3A_185 = arith.divsi %while3A_182, %while3A_184 : i32
      %while3A_186 = arith.muli %while3A_185, %while3A_184 : i32
      %while3A_187 = arith.addi %while3A_180, %while3A_186 : i32
      %while3A_188 = arith.constant 1 : i32
      %while3A_189 = scf.for %while3A_231 = %while3A_180 to %while3A_187 step %while3A_188 iter_args(%while3A_232 = %while3A_181) -> (i32)  : i32 {
        %mul3A_233 = arith.constant 16 : i32
        %mul3A_234 = arith.muli %while3A_231, %mul3A_233 : i32
        %get3A_235 = arith.index_cast %mul3A_234 : i32 to index
        %get3A_236 = tpu.vector_load %arg7[%get3A_235] {strides = array<i32>} : memref<16416xi32, #tpu.memory_space<vmem>>, vector<16xi32>,
        %shift_right_logical3A = arith.constant 23 : i32
        %shift_right_logical3A_237 = vector.broadcast %shift_right_logical3A : i32 to vector<16xi32>
        %shift_right_logical3A_238 = arith.shrui %get3A_236, %shift_right_logical3A_237 : vector<16xi32>
        %eq3A_239 = vector.broadcast %add3A_169 : i32 to vector<16xi32>
        %eq3A_240 = arith.cmpi eq, %shift_right_logical3A_238, %eq3A_239 : vector<16xi32>
        %convert_element_type3A_241 = arith.extui %eq3A_240 : vector<16xi1> to vector<16xi32>
        %cumsum3A = arith.constant true
        %cumsum3A_242 = vector.broadcast %cumsum3A : i1 to vector<16xi1>
        %cumsum3A_243 = tpu.scan <sum>, %convert_element_type3A_241 masked %cumsum3A_242 : vector<16xi32>, vector<16xi1> -> vector<16xi32>
        %add3A_244 = vector.broadcast %while3A_232 : i32 to vector<16xi32>
        %add3A_245 = arith.addi %add3A_244, %cumsum3A_243 : vector<16xi32>
        %sub3A_246 = arith.constant 1 : i32
        %sub3A_247 = vector.broadcast %sub3A_246 : i32 to vector<16xi32>
        %sub3A_248 = arith.subi %add3A_245, %sub3A_247 : vector<16xi32>
        %add3A_249 = arith.constant 16400 : i32
        %add3A_250 = vector.broadcast %add3A_249 : i32 to vector<16xi32>
        %add3A_251 = arith.addi %add3A_250, %iota3A : vector<16xi32>
        %select_n3A_252 = arith.select %eq3A_240, %sub3A_248, %add3A_251 : vector<16xi1>, vector<16xi32>
        tpu.vector_store_idx %arg8[%select_n3A_252], %get3A_236 : memref<16416xi32, #tpu.memory_space<vmem>>[vector<16xi32>], vector<16xi32>,
        %reduce_sum3A = arith.constant true
        %reduce_sum3A_253 = vector.broadcast %reduce_sum3A : i1 to vector<16xi1>
        %reduce_sum3A_254 = tpu.scan <sum>, %convert_element_type3A_241 masked %reduce_sum3A_253 : vector<16xi32>, vector<16xi1> -> vector<16xi32>
        %reduce_sum3A_255 = vector.extract %reduce_sum3A_254[15] : i32 from vector<16xi32>
        %add3A_256 = arith.addi %while3A_232, %reduce_sum3A_255 : i32
        scf.yield %add3A_256 : i32
      }
      %while3A_190 = arith.constant 1 : i32
      %while3A_191 = scf.for %while3A_231 = %while3A_187 to %while3A_183 step %while3A_190 iter_args(%while3A_232 = %while3A_189) -> (i32)  : i32 {
        %mul3A_233 = arith.constant 16 : i32
        %mul3A_234 = arith.muli %while3A_231, %mul3A_233 : i32
        %get3A_235 = arith.index_cast %mul3A_234 : i32 to index
        %get3A_236 = tpu.vector_load %arg7[%get3A_235] {strides = array<i32>} : memref<16416xi32, #tpu.memory_space<vmem>>, vector<16xi32>,
        %shift_right_logical3A = arith.constant 23 : i32
        %shift_right_logical3A_237 = vector.broadcast %shift_right_logical3A : i32 to vector<16xi32>
        %shift_right_logical3A_238 = arith.shrui %get3A_236, %shift_right_logical3A_237 : vector<16xi32>
        %eq3A_239 = vector.broadcast %add3A_169 : i32 to vector<16xi32>
        %eq3A_240 = arith.cmpi eq, %shift_right_logical3A_238, %eq3A_239 : vector<16xi32>
        %convert_element_type3A_241 = arith.extui %eq3A_240 : vector<16xi1> to vector<16xi32>
        %cumsum3A = arith.constant true
        %cumsum3A_242 = vector.broadcast %cumsum3A : i1 to vector<16xi1>
        %cumsum3A_243 = tpu.scan <sum>, %convert_element_type3A_241 masked %cumsum3A_242 : vector<16xi32>, vector<16xi1> -> vector<16xi32>
        %add3A_244 = vector.broadcast %while3A_232 : i32 to vector<16xi32>
        %add3A_245 = arith.addi %add3A_244, %cumsum3A_243 : vector<16xi32>
        %sub3A_246 = arith.constant 1 : i32
        %sub3A_247 = vector.broadcast %sub3A_246 : i32 to vector<16xi32>
        %sub3A_248 = arith.subi %add3A_245, %sub3A_247 : vector<16xi32>
        %add3A_249 = arith.constant 16400 : i32
        %add3A_250 = vector.broadcast %add3A_249 : i32 to vector<16xi32>
        %add3A_251 = arith.addi %add3A_250, %iota3A : vector<16xi32>
        %select_n3A_252 = arith.select %eq3A_240, %sub3A_248, %add3A_251 : vector<16xi1>, vector<16xi32>
        tpu.vector_store_idx %arg8[%select_n3A_252], %get3A_236 : memref<16416xi32, #tpu.memory_space<vmem>>[vector<16xi32>], vector<16xi32>,
        %reduce_sum3A = arith.constant true
        %reduce_sum3A_253 = vector.broadcast %reduce_sum3A : i1 to vector<16xi1>
        %reduce_sum3A_254 = tpu.scan <sum>, %convert_element_type3A_241 masked %reduce_sum3A_253 : vector<16xi32>, vector<16xi1> -> vector<16xi32>
        %reduce_sum3A_255 = vector.extract %reduce_sum3A_254[15] : i32 from vector<16xi32>
        %add3A_256 = arith.addi %while3A_232, %reduce_sum3A_255 : i32
        scf.yield %add3A_256 : i32
      }
      %add3A_192 = arith.constant 16 : i32
      %add3A_193 = arith.addi %while3A_191, %add3A_192 : i32
      %sub3A_194 = arith.constant 1 : i32
      %sub3A_195 = arith.subi %add3A_193, %sub3A_194 : i32
      %jit3A_196 = arith.constant 16 : i32
      %div3A_197 = arith.divsi %sub3A_195, %jit3A_196 : i32
      %sign3A_198 = arith.constant 0 : i32
      %sign3A_199 = arith.cmpi sgt, %sub3A_195, %sign3A_198 : i32
      %sign3A_200 = arith.extui %sign3A_199 : i1 to i32
      %sign3A_201 = arith.constant 0 : i32
      %sign3A_202 = arith.cmpi slt, %sub3A_195, %sign3A_201 : i32
      %sign3A_203 = arith.extui %sign3A_202 : i1 to i32
      %sign3A_204 = arith.subi %sign3A_200, %sign3A_203 : i32
      %sign3A_205 = arith.constant 0 : i32
      %sign3A_206 = arith.cmpi sgt, %jit3A_196, %sign3A_205 : i32
      %sign3A_207 = arith.extui %sign3A_206 : i1 to i32
      %sign3A_208 = arith.constant 0 : i32
      %sign3A_209 = arith.cmpi slt, %jit3A_196, %sign3A_208 : i32
      %sign3A_210 = arith.extui %sign3A_209 : i1 to i32
      %sign3A_211 = arith.subi %sign3A_207, %sign3A_210 : i32
      %ne3A_212 = arith.cmpi ne, %sign3A_204, %sign3A_211 : i32
      %rem3A_213 = arith.remsi %sub3A_195, %jit3A_196 : i32
      %ne3A_214 = arith.constant 0 : i32
      %ne3A_215 = arith.cmpi ne, %rem3A_213, %ne3A_214 : i32
      %and3A_216 = arith.andi %ne3A_212, %ne3A_215 : i1
      %sub3A_217 = arith.constant 1 : i32
      %sub3A_218 = arith.subi %div3A_197, %sub3A_217 : i32
      %select_n3A_219 = arith.select %and3A_216, %sub3A_218, %div3A_197 : i32
      %while3A_220 = arith.constant 0 : i32
      %while3A_221 = arith.subi %select_n3A_219, %while3A_220 : i32
      %while3A_222 = arith.addi %while3A_220, %while3A_221 : i32
      %while3A_223 = arith.constant 1 : i32
      %while3A_224 = arith.divsi %while3A_221, %while3A_223 : i32
      %while3A_225 = arith.muli %while3A_224, %while3A_223 : i32
      %while3A_226 = arith.addi %while3A_220, %while3A_225 : i32
      %while3A_227 = arith.constant 1 : i32
      %while3A_228 = scf.for %while3A_231 = %while3A_220 to %while3A_226 step %while3A_227 iter_args(%while3A_232 = %while3A_165) -> (i32)  : i32 {
        %rem3A_233 = arith.constant 8 : i32
        %rem3A_234 = arith.remsi %while3A_232, %rem3A_233 : i32
        %gt3A_235 = arith.constant 0 : i32
        %gt3A_236 = arith.cmpi sgt, %while3A_232, %gt3A_235 : i32
        %convert_element_type3A_237 = arith.extui %gt3A_236 : i1 to i32
        %cond3A_238 = arith.constant 0 : i32
        %cond3A_239 = arith.cmpi ne, %convert_element_type3A_237, %cond3A_238 : i32
        scf.if %cond3A_239 {
          %dma_wait3A = arith.constant 0 : i32
          %dma_wait3A_282 = arith.constant 0 : i32
          %dma_wait3A_283 = arith.constant 0 : i32
          %dma_wait3A_284 = arith.constant 0 : i32
          %dma_wait3A_285 = tpu.memref_slice %arg11[%dma_wait3A, %dma_wait3A_283, %dma_wait3A_284] : memref<8x16x128xf32, #tpu.memory_space<vmem>> -> memref<1x16x128xf32, #tpu.memory_space<vmem>>
          %dma_wait3A_286 = tpu.memref_squeeze %dma_wait3A_285 : memref<1x16x128xf32, #tpu.memory_space<vmem>> -> memref<16x128xf32, #tpu.memory_space<vmem>>
          %dma_wait3A_287 = arith.constant 0 : i32
          %dma_wait3A_288 = tpu.memref_slice %arg12[%dma_wait3A_282, %dma_wait3A_287] : memref<8x16xi32, #tpu.memory_space<vmem>> -> memref<1x16xi32, #tpu.memory_space<vmem>>
          %dma_wait3A_289 = tpu.memref_squeeze %dma_wait3A_288 : memref<1x16xi32, #tpu.memory_space<vmem>> -> memref<16xi32, #tpu.memory_space<vmem>>
          %dma_wait3A_290 = arith.constant 0 : i32
          %dma_wait3A_291 = arith.constant 0 : i32
          %dma_wait3A_292 = tpu.memref_slice %arg5[%dma_wait3A_290, %dma_wait3A_291] : memref<16400x128xf32, #tpu.memory_space<hbm>> -> memref<16400x128xf32, #tpu.memory_space<hbm>>
          tpu.wait_indirect_dma semaphore(%arg15 : memref<!tpu.dma_semaphore, #tpu.memory_space<semaphore_mem>>) src(%dma_wait3A_286 : memref<16x128xf32, #tpu.memory_space<vmem>>) dst(%dma_wait3A_292 : memref<16400x128xf32, #tpu.memory_space<hbm>>)
        } else {
        }
        %mul3A_240 = arith.constant 16 : i32
        %mul3A_241 = arith.muli %while3A_231, %mul3A_240 : i32
        %get3A_242 = arith.index_cast %mul3A_241 : i32 to index
        %get3A_243 = tpu.vector_load %arg8[%get3A_242] {strides = array<i32>} : memref<16416xi32, #tpu.memory_space<vmem>>, vector<16xi32>,
        %shift_right_logical3A = arith.constant 14 : i32
        %shift_right_logical3A_244 = vector.broadcast %shift_right_logical3A : i32 to vector<16xi32>
        %shift_right_logical3A_245 = arith.shrui %get3A_243, %shift_right_logical3A_244 : vector<16xi32>
        %and3A_246 = arith.constant 511 : i32
        %and3A_247 = vector.broadcast %and3A_246 : i32 to vector<16xi32>
        %and3A_248 = arith.andi %shift_right_logical3A_245, %and3A_247 : vector<16xi32>
        %and3A_249 = arith.constant 16383 : i32
        %and3A_250 = vector.broadcast %and3A_249 : i32 to vector<16xi32>
        %and3A_251 = arith.andi %get3A_243, %and3A_250 : vector<16xi32>
        %mul3A_252 = arith.constant 16 : i32
        %mul3A_253 = arith.muli %while3A_231, %mul3A_252 : i32
        %add3A_254 = vector.broadcast %mul3A_253 : i32 to vector<16xi32>
        %add3A_255 = arith.addi %add3A_254, %iota3A : vector<16xi32>
        %lt3A_256 = vector.broadcast %while3A_191 : i32 to vector<16xi32>
        %lt3A_257 = arith.cmpi slt, %add3A_255, %lt3A_256 : vector<16xi32>
        %add3A_258 = arith.constant 16384 : i32
        %add3A_259 = vector.broadcast %add3A_258 : i32 to vector<16xi32>
        %add3A_260 = arith.addi %add3A_259, %iota3A : vector<16xi32>
        %select_n3A_261 = arith.select %lt3A_257, %and3A_251, %add3A_260 : vector<16xi1>, vector<16xi32>
        %swap3A_262 = arith.index_cast %rem3A_234 : i32 to index
        %swap3A_263 = arith.constant 0 : index
        %swap3A_264 = tpu.vector_load %arg12[%swap3A_262, %swap3A_263] {strides = array<i32>} : memref<8x16xi32, #tpu.memory_space<vmem>>, vector<16xi32>,
        tpu.vector_store %arg12[%swap3A_262, %swap3A_263], %select_n3A_261 {strides = array<i32>} : memref<8x16xi32, #tpu.memory_space<vmem>>, vector<16xi32>,
        %scan3A_265 = arith.constant 0 : i32
        %scan3A_266 = arith.constant 0 : i32
        %scan3A_267 = arith.constant 64 : i32
        %scan3A_268 = arith.addi %scan3A_266, %scan3A_267 : i32
        %scan3A_269 = arith.constant 1 : i32
        scf.for %scan3A_282 = %scan3A_266 to %scan3A_268 step %scan3A_269  : i32 {
          %broadcast_in_dim3A_283 = vector.broadcast %scan3A_282 : i32 to vector<16xi32>
          %gather3A = arith.constant 1 : i32
          %gather3A_284 = arith.constant 0 : i32
          %gather3A_285 = arith.constant 0 : i32
          %gather3A_286 = tpu.memref_slice %arg9[%gather3A, %gather3A_284, %gather3A_285] : memref<2x64x512xf32, #tpu.memory_space<vmem>> -> memref<1x64x512xf32, #tpu.memory_space<vmem>>
          %gather3A_287 = tpu.memref_squeeze %gather3A_286 : memref<1x64x512xf32, #tpu.memory_space<vmem>> -> memref<64x512xf32, #tpu.memory_space<vmem>>
          %gather3A_288 = tpu.vector_load_idx %gather3A_287[%broadcast_in_dim3A_283, %and3A_248] : memref<64x512xf32, #tpu.memory_space<vmem>>[vector<16xi32>, vector<16xi32>], vector<16xf32>,
          %broadcast_in_dim3A_289 = vector.broadcast %rem3A_234 : i32 to vector<16xi32>
          %broadcast_in_dim3A_290 = vector.broadcast %scan3A_282 : i32 to vector<16xi32>
          tpu.vector_store_idx %arg11[%broadcast_in_dim3A_289, %iota3A, %broadcast_in_dim3A_290], %gather3A_288 : memref<8x16x128xf32, #tpu.memory_space<vmem>>[vector<16xi32>, vector<16xi32>, vector<16xi32>], vector<16xf32>,
        }
        %scan3A_270 = arith.constant 64 : i32
        %dma_start3A = arith.constant 0 : i32
        %dma_start3A_271 = arith.constant 0 : i32
        %dma_start3A_272 = tpu.memref_slice %arg11[%rem3A_234, %dma_start3A, %dma_start3A_271] : memref<8x16x128xf32, #tpu.memory_space<vmem>> -> memref<1x16x128xf32, #tpu.memory_space<vmem>>
        %dma_start3A_273 = tpu.memref_squeeze %dma_start3A_272 : memref<1x16x128xf32, #tpu.memory_space<vmem>> -> memref<16x128xf32, #tpu.memory_space<vmem>>
        %dma_start3A_274 = arith.constant 0 : i32
        %dma_start3A_275 = tpu.memref_slice %arg12[%rem3A_234, %dma_start3A_274] : memref<8x16xi32, #tpu.memory_space<vmem>> -> memref<1x16xi32, #tpu.memory_space<vmem>>
        %dma_start3A_276 = tpu.memref_squeeze %dma_start3A_275 : memref<1x16xi32, #tpu.memory_space<vmem>> -> memref<16xi32, #tpu.memory_space<vmem>>
        %dma_start3A_277 = arith.constant 0 : i32
        %dma_start3A_278 = arith.constant 0 : i32
        %dma_start3A_279 = tpu.memref_slice %arg5[%dma_start3A_277, %dma_start3A_278] : memref<16400x128xf32, #tpu.memory_space<hbm>> -> memref<16400x128xf32, #tpu.memory_space<hbm>>
        tpu.enqueue_indirect_dma source(%dma_start3A_273 : memref<16x128xf32, #tpu.memory_space<vmem>>) target(%dma_start3A_279 : memref<16400x128xf32, #tpu.memory_space<hbm>>) offsets(%dma_start3A_276 : memref<16xi32, #tpu.memory_space<vmem>>) semaphore(%arg15 : memref<!tpu.dma_semaphore, #tpu.memory_space<semaphore_mem>>)
        %add3A_280 = arith.constant 1 : i32
        %add3A_281 = arith.addi %while3A_232, %add3A_280 : i32
        scf.yield %add3A_281 : i32
      }
      %while3A_229 = arith.constant 1 : i32
      %while3A_230 = scf.for %while3A_231 = %while3A_226 to %while3A_222 step %while3A_229 iter_args(%while3A_232 = %while3A_228) -> (i32)  : i32 {
        %rem3A_233 = arith.constant 8 : i32
        %rem3A_234 = arith.remsi %while3A_232, %rem3A_233 : i32
        %gt3A_235 = arith.constant 0 : i32
        %gt3A_236 = arith.cmpi sgt, %while3A_232, %gt3A_235 : i32
        %convert_element_type3A_237 = arith.extui %gt3A_236 : i1 to i32
        %cond3A_238 = arith.constant 0 : i32
        %cond3A_239 = arith.cmpi ne, %convert_element_type3A_237, %cond3A_238 : i32
        scf.if %cond3A_239 {
          %dma_wait3A = arith.constant 0 : i32
          %dma_wait3A_282 = arith.constant 0 : i32
          %dma_wait3A_283 = arith.constant 0 : i32
          %dma_wait3A_284 = arith.constant 0 : i32
          %dma_wait3A_285 = tpu.memref_slice %arg11[%dma_wait3A, %dma_wait3A_283, %dma_wait3A_284] : memref<8x16x128xf32, #tpu.memory_space<vmem>> -> memref<1x16x128xf32, #tpu.memory_space<vmem>>
          %dma_wait3A_286 = tpu.memref_squeeze %dma_wait3A_285 : memref<1x16x128xf32, #tpu.memory_space<vmem>> -> memref<16x128xf32, #tpu.memory_space<vmem>>
          %dma_wait3A_287 = arith.constant 0 : i32
          %dma_wait3A_288 = tpu.memref_slice %arg12[%dma_wait3A_282, %dma_wait3A_287] : memref<8x16xi32, #tpu.memory_space<vmem>> -> memref<1x16xi32, #tpu.memory_space<vmem>>
          %dma_wait3A_289 = tpu.memref_squeeze %dma_wait3A_288 : memref<1x16xi32, #tpu.memory_space<vmem>> -> memref<16xi32, #tpu.memory_space<vmem>>
          %dma_wait3A_290 = arith.constant 0 : i32
          %dma_wait3A_291 = arith.constant 0 : i32
          %dma_wait3A_292 = tpu.memref_slice %arg5[%dma_wait3A_290, %dma_wait3A_291] : memref<16400x128xf32, #tpu.memory_space<hbm>> -> memref<16400x128xf32, #tpu.memory_space<hbm>>
          tpu.wait_indirect_dma semaphore(%arg15 : memref<!tpu.dma_semaphore, #tpu.memory_space<semaphore_mem>>) src(%dma_wait3A_286 : memref<16x128xf32, #tpu.memory_space<vmem>>) dst(%dma_wait3A_292 : memref<16400x128xf32, #tpu.memory_space<hbm>>)
        } else {
        }
        %mul3A_240 = arith.constant 16 : i32
        %mul3A_241 = arith.muli %while3A_231, %mul3A_240 : i32
        %get3A_242 = arith.index_cast %mul3A_241 : i32 to index
        %get3A_243 = tpu.vector_load %arg8[%get3A_242] {strides = array<i32>} : memref<16416xi32, #tpu.memory_space<vmem>>, vector<16xi32>,
        %shift_right_logical3A = arith.constant 14 : i32
        %shift_right_logical3A_244 = vector.broadcast %shift_right_logical3A : i32 to vector<16xi32>
        %shift_right_logical3A_245 = arith.shrui %get3A_243, %shift_right_logical3A_244 : vector<16xi32>
        %and3A_246 = arith.constant 511 : i32
        %and3A_247 = vector.broadcast %and3A_246 : i32 to vector<16xi32>
        %and3A_248 = arith.andi %shift_right_logical3A_245, %and3A_247 : vector<16xi32>
        %and3A_249 = arith.constant 16383 : i32
        %and3A_250 = vector.broadcast %and3A_249 : i32 to vector<16xi32>
        %and3A_251 = arith.andi %get3A_243, %and3A_250 : vector<16xi32>
        %mul3A_252 = arith.constant 16 : i32
        %mul3A_253 = arith.muli %while3A_231, %mul3A_252 : i32
        %add3A_254 = vector.broadcast %mul3A_253 : i32 to vector<16xi32>
        %add3A_255 = arith.addi %add3A_254, %iota3A : vector<16xi32>
        %lt3A_256 = vector.broadcast %while3A_191 : i32 to vector<16xi32>
        %lt3A_257 = arith.cmpi slt, %add3A_255, %lt3A_256 : vector<16xi32>
        %add3A_258 = arith.constant 16384 : i32
        %add3A_259 = vector.broadcast %add3A_258 : i32 to vector<16xi32>
        %add3A_260 = arith.addi %add3A_259, %iota3A : vector<16xi32>
        %select_n3A_261 = arith.select %lt3A_257, %and3A_251, %add3A_260 : vector<16xi1>, vector<16xi32>
        %swap3A_262 = arith.index_cast %rem3A_234 : i32 to index
        %swap3A_263 = arith.constant 0 : index
        %swap3A_264 = tpu.vector_load %arg12[%swap3A_262, %swap3A_263] {strides = array<i32>} : memref<8x16xi32, #tpu.memory_space<vmem>>, vector<16xi32>,
        tpu.vector_store %arg12[%swap3A_262, %swap3A_263], %select_n3A_261 {strides = array<i32>} : memref<8x16xi32, #tpu.memory_space<vmem>>, vector<16xi32>,
        %scan3A_265 = arith.constant 0 : i32
        %scan3A_266 = arith.constant 0 : i32
        %scan3A_267 = arith.constant 64 : i32
        %scan3A_268 = arith.addi %scan3A_266, %scan3A_267 : i32
        %scan3A_269 = arith.constant 1 : i32
        scf.for %scan3A_282 = %scan3A_266 to %scan3A_268 step %scan3A_269  : i32 {
          %broadcast_in_dim3A_283 = vector.broadcast %scan3A_282 : i32 to vector<16xi32>
          %gather3A = arith.constant 1 : i32
          %gather3A_284 = arith.constant 0 : i32
          %gather3A_285 = arith.constant 0 : i32
          %gather3A_286 = tpu.memref_slice %arg9[%gather3A, %gather3A_284, %gather3A_285] : memref<2x64x512xf32, #tpu.memory_space<vmem>> -> memref<1x64x512xf32, #tpu.memory_space<vmem>>
          %gather3A_287 = tpu.memref_squeeze %gather3A_286 : memref<1x64x512xf32, #tpu.memory_space<vmem>> -> memref<64x512xf32, #tpu.memory_space<vmem>>
          %gather3A_288 = tpu.vector_load_idx %gather3A_287[%broadcast_in_dim3A_283, %and3A_248] : memref<64x512xf32, #tpu.memory_space<vmem>>[vector<16xi32>, vector<16xi32>], vector<16xf32>,
          %broadcast_in_dim3A_289 = vector.broadcast %rem3A_234 : i32 to vector<16xi32>
          %broadcast_in_dim3A_290 = vector.broadcast %scan3A_282 : i32 to vector<16xi32>
          tpu.vector_store_idx %arg11[%broadcast_in_dim3A_289, %iota3A, %broadcast_in_dim3A_290], %gather3A_288 : memref<8x16x128xf32, #tpu.memory_space<vmem>>[vector<16xi32>, vector<16xi32>, vector<16xi32>], vector<16xf32>,
        }
        %scan3A_270 = arith.constant 64 : i32
        %dma_start3A = arith.constant 0 : i32
        %dma_start3A_271 = arith.constant 0 : i32
        %dma_start3A_272 = tpu.memref_slice %arg11[%rem3A_234, %dma_start3A, %dma_start3A_271] : memref<8x16x128xf32, #tpu.memory_space<vmem>> -> memref<1x16x128xf32, #tpu.memory_space<vmem>>
        %dma_start3A_273 = tpu.memref_squeeze %dma_start3A_272 : memref<1x16x128xf32, #tpu.memory_space<vmem>> -> memref<16x128xf32, #tpu.memory_space<vmem>>
        %dma_start3A_274 = arith.constant 0 : i32
        %dma_start3A_275 = tpu.memref_slice %arg12[%rem3A_234, %dma_start3A_274] : memref<8x16xi32, #tpu.memory_space<vmem>> -> memref<1x16xi32, #tpu.memory_space<vmem>>
        %dma_start3A_276 = tpu.memref_squeeze %dma_start3A_275 : memref<1x16xi32, #tpu.memory_space<vmem>> -> memref<16xi32, #tpu.memory_space<vmem>>
        %dma_start3A_277 = arith.constant 0 : i32
        %dma_start3A_278 = arith.constant 0 : i32
        %dma_start3A_279 = tpu.memref_slice %arg5[%dma_start3A_277, %dma_start3A_278] : memref<16400x128xf32, #tpu.memory_space<hbm>> -> memref<16400x128xf32, #tpu.memory_space<hbm>>
        tpu.enqueue_indirect_dma source(%dma_start3A_273 : memref<16x128xf32, #tpu.memory_space<vmem>>) target(%dma_start3A_279 : memref<16400x128xf32, #tpu.memory_space<hbm>>) offsets(%dma_start3A_276 : memref<16xi32, #tpu.memory_space<vmem>>) semaphore(%arg15 : memref<!tpu.dma_semaphore, #tpu.memory_space<semaphore_mem>>)
        %add3A_280 = arith.constant 1 : i32
        %add3A_281 = arith.addi %while3A_232, %add3A_280 : i32
        scf.yield %add3A_281 : i32
      }
      scf.yield %while3A_230 : i32
    }
    %scan3A_94 = arith.constant 31 : i32
    %convert_element_type3A_95 = arith.extui %eq3A_1 : i1 to i32
    %cond3A_96 = arith.constant 0 : i32
    %cond3A_97 = arith.cmpi ne, %convert_element_type3A_95, %cond3A_96 : i32
    scf.if %cond3A_97 {
      %while3A = arith.constant 0 : i32
      %while3A_102 = arith.constant 0 : i32
      %while3A_103 = arith.subi %select_n3A_82, %while3A : i32
      %while3A_104 = arith.addi %while3A, %while3A_103 : i32
      %while3A_105 = arith.constant 1 : i32
      %while3A_106 = arith.divsi %while3A_103, %while3A_105 : i32
      %while3A_107 = arith.muli %while3A_106, %while3A_105 : i32
      %while3A_108 = arith.addi %while3A, %while3A_107 : i32
      %while3A_109 = arith.constant 1 : i32
      %while3A_110 = scf.for %while3A_163 = %while3A to %while3A_108 step %while3A_109 iter_args(%while3A_164 = %while3A_102) -> (i32)  : i32 {
        %mul3A_165 = arith.constant 16 : i32
        %mul3A_166 = arith.muli %while3A_163, %mul3A_165 : i32
        %get3A_167 = arith.index_cast %mul3A_166 : i32 to index
        %get3A_168 = tpu.vector_load %arg7[%get3A_167] {strides = array<i32>} : memref<16416xi32, #tpu.memory_space<vmem>>, vector<16xi32>,
        %shift_right_logical3A = arith.constant 23 : i32
        %shift_right_logical3A_169 = vector.broadcast %shift_right_logical3A : i32 to vector<16xi32>
        %shift_right_logical3A_170 = arith.shrui %get3A_168, %shift_right_logical3A_169 : vector<16xi32>
        %eq3A_171 = vector.broadcast %select_n3A : i32 to vector<16xi32>
        %eq3A_172 = arith.cmpi eq, %shift_right_logical3A_170, %eq3A_171 : vector<16xi32>
        %convert_element_type3A_173 = arith.extui %eq3A_172 : vector<16xi1> to vector<16xi32>
        %cumsum3A = arith.constant true
        %cumsum3A_174 = vector.broadcast %cumsum3A : i1 to vector<16xi1>
        %cumsum3A_175 = tpu.scan <sum>, %convert_element_type3A_173 masked %cumsum3A_174 : vector<16xi32>, vector<16xi1> -> vector<16xi32>
        %add3A_176 = vector.broadcast %while3A_164 : i32 to vector<16xi32>
        %add3A_177 = arith.addi %add3A_176, %cumsum3A_175 : vector<16xi32>
        %sub3A_178 = arith.constant 1 : i32
        %sub3A_179 = vector.broadcast %sub3A_178 : i32 to vector<16xi32>
        %sub3A_180 = arith.subi %add3A_177, %sub3A_179 : vector<16xi32>
        %add3A_181 = arith.constant 16400 : i32
        %add3A_182 = vector.broadcast %add3A_181 : i32 to vector<16xi32>
        %add3A_183 = arith.addi %add3A_182, %iota3A : vector<16xi32>
        %select_n3A_184 = arith.select %eq3A_172, %sub3A_180, %add3A_183 : vector<16xi1>, vector<16xi32>
        tpu.vector_store_idx %arg8[%select_n3A_184], %get3A_168 : memref<16416xi32, #tpu.memory_space<vmem>>[vector<16xi32>], vector<16xi32>,
        %reduce_sum3A = arith.constant true
        %reduce_sum3A_185 = vector.broadcast %reduce_sum3A : i1 to vector<16xi1>
        %reduce_sum3A_186 = tpu.scan <sum>, %convert_element_type3A_173 masked %reduce_sum3A_185 : vector<16xi32>, vector<16xi1> -> vector<16xi32>
        %reduce_sum3A_187 = vector.extract %reduce_sum3A_186[15] : i32 from vector<16xi32>
        %add3A_188 = arith.addi %while3A_164, %reduce_sum3A_187 : i32
        scf.yield %add3A_188 : i32
      }
      %while3A_111 = arith.constant 1 : i32
      %while3A_112 = scf.for %while3A_163 = %while3A_108 to %while3A_104 step %while3A_111 iter_args(%while3A_164 = %while3A_110) -> (i32)  : i32 {
        %mul3A_165 = arith.constant 16 : i32
        %mul3A_166 = arith.muli %while3A_163, %mul3A_165 : i32
        %get3A_167 = arith.index_cast %mul3A_166 : i32 to index
        %get3A_168 = tpu.vector_load %arg7[%get3A_167] {strides = array<i32>} : memref<16416xi32, #tpu.memory_space<vmem>>, vector<16xi32>,
        %shift_right_logical3A = arith.constant 23 : i32
        %shift_right_logical3A_169 = vector.broadcast %shift_right_logical3A : i32 to vector<16xi32>
        %shift_right_logical3A_170 = arith.shrui %get3A_168, %shift_right_logical3A_169 : vector<16xi32>
        %eq3A_171 = vector.broadcast %select_n3A : i32 to vector<16xi32>
        %eq3A_172 = arith.cmpi eq, %shift_right_logical3A_170, %eq3A_171 : vector<16xi32>
        %convert_element_type3A_173 = arith.extui %eq3A_172 : vector<16xi1> to vector<16xi32>
        %cumsum3A = arith.constant true
        %cumsum3A_174 = vector.broadcast %cumsum3A : i1 to vector<16xi1>
        %cumsum3A_175 = tpu.scan <sum>, %convert_element_type3A_173 masked %cumsum3A_174 : vector<16xi32>, vector<16xi1> -> vector<16xi32>
        %add3A_176 = vector.broadcast %while3A_164 : i32 to vector<16xi32>
        %add3A_177 = arith.addi %add3A_176, %cumsum3A_175 : vector<16xi32>
        %sub3A_178 = arith.constant 1 : i32
        %sub3A_179 = vector.broadcast %sub3A_178 : i32 to vector<16xi32>
        %sub3A_180 = arith.subi %add3A_177, %sub3A_179 : vector<16xi32>
        %add3A_181 = arith.constant 16400 : i32
        %add3A_182 = vector.broadcast %add3A_181 : i32 to vector<16xi32>
        %add3A_183 = arith.addi %add3A_182, %iota3A : vector<16xi32>
        %select_n3A_184 = arith.select %eq3A_172, %sub3A_180, %add3A_183 : vector<16xi1>, vector<16xi32>
        tpu.vector_store_idx %arg8[%select_n3A_184], %get3A_168 : memref<16416xi32, #tpu.memory_space<vmem>>[vector<16xi32>], vector<16xi32>,
        %reduce_sum3A = arith.constant true
        %reduce_sum3A_185 = vector.broadcast %reduce_sum3A : i1 to vector<16xi1>
        %reduce_sum3A_186 = tpu.scan <sum>, %convert_element_type3A_173 masked %reduce_sum3A_185 : vector<16xi32>, vector<16xi1> -> vector<16xi32>
        %reduce_sum3A_187 = vector.extract %reduce_sum3A_186[15] : i32 from vector<16xi32>
        %add3A_188 = arith.addi %while3A_164, %reduce_sum3A_187 : i32
        scf.yield %add3A_188 : i32
      }
      %add3A_113 = arith.constant 16 : i32
      %add3A_114 = arith.addi %while3A_112, %add3A_113 : i32
      %sub3A_115 = arith.constant 1 : i32
      %sub3A_116 = arith.subi %add3A_114, %sub3A_115 : i32
      %jit3A_117 = arith.constant 16 : i32
      %div3A_118 = arith.divsi %sub3A_116, %jit3A_117 : i32
      %sign3A_119 = arith.constant 0 : i32
      %sign3A_120 = arith.cmpi sgt, %sub3A_116, %sign3A_119 : i32
      %sign3A_121 = arith.extui %sign3A_120 : i1 to i32
      %sign3A_122 = arith.constant 0 : i32
      %sign3A_123 = arith.cmpi slt, %sub3A_116, %sign3A_122 : i32
      %sign3A_124 = arith.extui %sign3A_123 : i1 to i32
      %sign3A_125 = arith.subi %sign3A_121, %sign3A_124 : i32
      %sign3A_126 = arith.constant 0 : i32
      %sign3A_127 = arith.cmpi sgt, %jit3A_117, %sign3A_126 : i32
      %sign3A_128 = arith.extui %sign3A_127 : i1 to i32
      %sign3A_129 = arith.constant 0 : i32
      %sign3A_130 = arith.cmpi slt, %jit3A_117, %sign3A_129 : i32
      %sign3A_131 = arith.extui %sign3A_130 : i1 to i32
      %sign3A_132 = arith.subi %sign3A_128, %sign3A_131 : i32
      %ne3A_133 = arith.cmpi ne, %sign3A_125, %sign3A_132 : i32
      %rem3A_134 = arith.remsi %sub3A_116, %jit3A_117 : i32
      %ne3A_135 = arith.constant 0 : i32
      %ne3A_136 = arith.cmpi ne, %rem3A_134, %ne3A_135 : i32
      %and3A_137 = arith.andi %ne3A_133, %ne3A_136 : i1
      %sub3A_138 = arith.constant 1 : i32
      %sub3A_139 = arith.subi %div3A_118, %sub3A_138 : i32
      %select_n3A_140 = arith.select %and3A_137, %sub3A_139, %div3A_118 : i32
      %while3A_141 = arith.constant 0 : i32
      %while3A_142 = arith.subi %select_n3A_140, %while3A_141 : i32
      %while3A_143 = arith.addi %while3A_141, %while3A_142 : i32
      %while3A_144 = arith.constant 1 : i32
      %while3A_145 = arith.divsi %while3A_142, %while3A_144 : i32
      %while3A_146 = arith.muli %while3A_145, %while3A_144 : i32
      %while3A_147 = arith.addi %while3A_141, %while3A_146 : i32
      %while3A_148 = arith.constant 1 : i32
      %while3A_149 = scf.for %while3A_163 = %while3A_141 to %while3A_147 step %while3A_148 iter_args(%while3A_164 = %scan3A_93) -> (i32)  : i32 {
        %rem3A_165 = arith.constant 8 : i32
        %rem3A_166 = arith.remsi %while3A_164, %rem3A_165 : i32
        %gt3A_167 = arith.constant 0 : i32
        %gt3A_168 = arith.cmpi sgt, %while3A_164, %gt3A_167 : i32
        %convert_element_type3A_169 = arith.extui %gt3A_168 : i1 to i32
        %cond3A_170 = arith.constant 0 : i32
        %cond3A_171 = arith.cmpi ne, %convert_element_type3A_169, %cond3A_170 : i32
        scf.if %cond3A_171 {
          %dma_wait3A = arith.constant 0 : i32
          %dma_wait3A_214 = arith.constant 0 : i32
          %dma_wait3A_215 = arith.constant 0 : i32
          %dma_wait3A_216 = arith.constant 0 : i32
          %dma_wait3A_217 = tpu.memref_slice %arg11[%dma_wait3A, %dma_wait3A_215, %dma_wait3A_216] : memref<8x16x128xf32, #tpu.memory_space<vmem>> -> memref<1x16x128xf32, #tpu.memory_space<vmem>>
          %dma_wait3A_218 = tpu.memref_squeeze %dma_wait3A_217 : memref<1x16x128xf32, #tpu.memory_space<vmem>> -> memref<16x128xf32, #tpu.memory_space<vmem>>
          %dma_wait3A_219 = arith.constant 0 : i32
          %dma_wait3A_220 = tpu.memref_slice %arg12[%dma_wait3A_214, %dma_wait3A_219] : memref<8x16xi32, #tpu.memory_space<vmem>> -> memref<1x16xi32, #tpu.memory_space<vmem>>
          %dma_wait3A_221 = tpu.memref_squeeze %dma_wait3A_220 : memref<1x16xi32, #tpu.memory_space<vmem>> -> memref<16xi32, #tpu.memory_space<vmem>>
          %dma_wait3A_222 = arith.constant 0 : i32
          %dma_wait3A_223 = arith.constant 0 : i32
          %dma_wait3A_224 = tpu.memref_slice %arg5[%dma_wait3A_222, %dma_wait3A_223] : memref<16400x128xf32, #tpu.memory_space<hbm>> -> memref<16400x128xf32, #tpu.memory_space<hbm>>
          tpu.wait_indirect_dma semaphore(%arg15 : memref<!tpu.dma_semaphore, #tpu.memory_space<semaphore_mem>>) src(%dma_wait3A_218 : memref<16x128xf32, #tpu.memory_space<vmem>>) dst(%dma_wait3A_224 : memref<16400x128xf32, #tpu.memory_space<hbm>>)
        } else {
        }
        %mul3A_172 = arith.constant 16 : i32
        %mul3A_173 = arith.muli %while3A_163, %mul3A_172 : i32
        %get3A_174 = arith.index_cast %mul3A_173 : i32 to index
        %get3A_175 = tpu.vector_load %arg8[%get3A_174] {strides = array<i32>} : memref<16416xi32, #tpu.memory_space<vmem>>, vector<16xi32>,
        %shift_right_logical3A = arith.constant 14 : i32
        %shift_right_logical3A_176 = vector.broadcast %shift_right_logical3A : i32 to vector<16xi32>
        %shift_right_logical3A_177 = arith.shrui %get3A_175, %shift_right_logical3A_176 : vector<16xi32>
        %and3A_178 = arith.constant 511 : i32
        %and3A_179 = vector.broadcast %and3A_178 : i32 to vector<16xi32>
        %and3A_180 = arith.andi %shift_right_logical3A_177, %and3A_179 : vector<16xi32>
        %and3A_181 = arith.constant 16383 : i32
        %and3A_182 = vector.broadcast %and3A_181 : i32 to vector<16xi32>
        %and3A_183 = arith.andi %get3A_175, %and3A_182 : vector<16xi32>
        %mul3A_184 = arith.constant 16 : i32
        %mul3A_185 = arith.muli %while3A_163, %mul3A_184 : i32
        %add3A_186 = vector.broadcast %mul3A_185 : i32 to vector<16xi32>
        %add3A_187 = arith.addi %add3A_186, %iota3A : vector<16xi32>
        %lt3A_188 = vector.broadcast %while3A_112 : i32 to vector<16xi32>
        %lt3A_189 = arith.cmpi slt, %add3A_187, %lt3A_188 : vector<16xi32>
        %add3A_190 = arith.constant 16384 : i32
        %add3A_191 = vector.broadcast %add3A_190 : i32 to vector<16xi32>
        %add3A_192 = arith.addi %add3A_191, %iota3A : vector<16xi32>
        %select_n3A_193 = arith.select %lt3A_189, %and3A_183, %add3A_192 : vector<16xi1>, vector<16xi32>
        %swap3A_194 = arith.index_cast %rem3A_166 : i32 to index
        %swap3A_195 = arith.constant 0 : index
        %swap3A_196 = tpu.vector_load %arg12[%swap3A_194, %swap3A_195] {strides = array<i32>} : memref<8x16xi32, #tpu.memory_space<vmem>>, vector<16xi32>,
        tpu.vector_store %arg12[%swap3A_194, %swap3A_195], %select_n3A_193 {strides = array<i32>} : memref<8x16xi32, #tpu.memory_space<vmem>>, vector<16xi32>,
        %scan3A_197 = arith.constant 0 : i32
        %scan3A_198 = arith.constant 0 : i32
        %scan3A_199 = arith.constant 64 : i32
        %scan3A_200 = arith.addi %scan3A_198, %scan3A_199 : i32
        %scan3A_201 = arith.constant 1 : i32
        scf.for %scan3A_214 = %scan3A_198 to %scan3A_200 step %scan3A_201  : i32 {
          %broadcast_in_dim3A_215 = vector.broadcast %scan3A_214 : i32 to vector<16xi32>
          %gather3A = tpu.vector_load_idx %arg10[%broadcast_in_dim3A_215, %and3A_180] : memref<64x64xf32, #tpu.memory_space<vmem>>[vector<16xi32>, vector<16xi32>], vector<16xf32>,
          %broadcast_in_dim3A_216 = vector.broadcast %rem3A_166 : i32 to vector<16xi32>
          %broadcast_in_dim3A_217 = vector.broadcast %scan3A_214 : i32 to vector<16xi32>
          tpu.vector_store_idx %arg11[%broadcast_in_dim3A_216, %iota3A, %broadcast_in_dim3A_217], %gather3A : memref<8x16x128xf32, #tpu.memory_space<vmem>>[vector<16xi32>, vector<16xi32>, vector<16xi32>], vector<16xf32>,
        }
        %scan3A_202 = arith.constant 64 : i32
        %dma_start3A = arith.constant 0 : i32
        %dma_start3A_203 = arith.constant 0 : i32
        %dma_start3A_204 = tpu.memref_slice %arg11[%rem3A_166, %dma_start3A, %dma_start3A_203] : memref<8x16x128xf32, #tpu.memory_space<vmem>> -> memref<1x16x128xf32, #tpu.memory_space<vmem>>
        %dma_start3A_205 = tpu.memref_squeeze %dma_start3A_204 : memref<1x16x128xf32, #tpu.memory_space<vmem>> -> memref<16x128xf32, #tpu.memory_space<vmem>>
        %dma_start3A_206 = arith.constant 0 : i32
        %dma_start3A_207 = tpu.memref_slice %arg12[%rem3A_166, %dma_start3A_206] : memref<8x16xi32, #tpu.memory_space<vmem>> -> memref<1x16xi32, #tpu.memory_space<vmem>>
        %dma_start3A_208 = tpu.memref_squeeze %dma_start3A_207 : memref<1x16xi32, #tpu.memory_space<vmem>> -> memref<16xi32, #tpu.memory_space<vmem>>
        %dma_start3A_209 = arith.constant 0 : i32
        %dma_start3A_210 = arith.constant 0 : i32
        %dma_start3A_211 = tpu.memref_slice %arg5[%dma_start3A_209, %dma_start3A_210] : memref<16400x128xf32, #tpu.memory_space<hbm>> -> memref<16400x128xf32, #tpu.memory_space<hbm>>
        tpu.enqueue_indirect_dma source(%dma_start3A_205 : memref<16x128xf32, #tpu.memory_space<vmem>>) target(%dma_start3A_211 : memref<16400x128xf32, #tpu.memory_space<hbm>>) offsets(%dma_start3A_208 : memref<16xi32, #tpu.memory_space<vmem>>) semaphore(%arg15 : memref<!tpu.dma_semaphore, #tpu.memory_space<semaphore_mem>>)
        %add3A_212 = arith.constant 1 : i32
        %add3A_213 = arith.addi %while3A_164, %add3A_212 : i32
        scf.yield %add3A_213 : i32
      }
      %while3A_150 = arith.constant 1 : i32
      %while3A_151 = scf.for %while3A_163 = %while3A_147 to %while3A_143 step %while3A_150 iter_args(%while3A_164 = %while3A_149) -> (i32)  : i32 {
        %rem3A_165 = arith.constant 8 : i32
        %rem3A_166 = arith.remsi %while3A_164, %rem3A_165 : i32
        %gt3A_167 = arith.constant 0 : i32
        %gt3A_168 = arith.cmpi sgt, %while3A_164, %gt3A_167 : i32
        %convert_element_type3A_169 = arith.extui %gt3A_168 : i1 to i32
        %cond3A_170 = arith.constant 0 : i32
        %cond3A_171 = arith.cmpi ne, %convert_element_type3A_169, %cond3A_170 : i32
        scf.if %cond3A_171 {
          %dma_wait3A = arith.constant 0 : i32
          %dma_wait3A_214 = arith.constant 0 : i32
          %dma_wait3A_215 = arith.constant 0 : i32
          %dma_wait3A_216 = arith.constant 0 : i32
          %dma_wait3A_217 = tpu.memref_slice %arg11[%dma_wait3A, %dma_wait3A_215, %dma_wait3A_216] : memref<8x16x128xf32, #tpu.memory_space<vmem>> -> memref<1x16x128xf32, #tpu.memory_space<vmem>>
          %dma_wait3A_218 = tpu.memref_squeeze %dma_wait3A_217 : memref<1x16x128xf32, #tpu.memory_space<vmem>> -> memref<16x128xf32, #tpu.memory_space<vmem>>
          %dma_wait3A_219 = arith.constant 0 : i32
          %dma_wait3A_220 = tpu.memref_slice %arg12[%dma_wait3A_214, %dma_wait3A_219] : memref<8x16xi32, #tpu.memory_space<vmem>> -> memref<1x16xi32, #tpu.memory_space<vmem>>
          %dma_wait3A_221 = tpu.memref_squeeze %dma_wait3A_220 : memref<1x16xi32, #tpu.memory_space<vmem>> -> memref<16xi32, #tpu.memory_space<vmem>>
          %dma_wait3A_222 = arith.constant 0 : i32
          %dma_wait3A_223 = arith.constant 0 : i32
          %dma_wait3A_224 = tpu.memref_slice %arg5[%dma_wait3A_222, %dma_wait3A_223] : memref<16400x128xf32, #tpu.memory_space<hbm>> -> memref<16400x128xf32, #tpu.memory_space<hbm>>
          tpu.wait_indirect_dma semaphore(%arg15 : memref<!tpu.dma_semaphore, #tpu.memory_space<semaphore_mem>>) src(%dma_wait3A_218 : memref<16x128xf32, #tpu.memory_space<vmem>>) dst(%dma_wait3A_224 : memref<16400x128xf32, #tpu.memory_space<hbm>>)
        } else {
        }
        %mul3A_172 = arith.constant 16 : i32
        %mul3A_173 = arith.muli %while3A_163, %mul3A_172 : i32
        %get3A_174 = arith.index_cast %mul3A_173 : i32 to index
        %get3A_175 = tpu.vector_load %arg8[%get3A_174] {strides = array<i32>} : memref<16416xi32, #tpu.memory_space<vmem>>, vector<16xi32>,
        %shift_right_logical3A = arith.constant 14 : i32
        %shift_right_logical3A_176 = vector.broadcast %shift_right_logical3A : i32 to vector<16xi32>
        %shift_right_logical3A_177 = arith.shrui %get3A_175, %shift_right_logical3A_176 : vector<16xi32>
        %and3A_178 = arith.constant 511 : i32
        %and3A_179 = vector.broadcast %and3A_178 : i32 to vector<16xi32>
        %and3A_180 = arith.andi %shift_right_logical3A_177, %and3A_179 : vector<16xi32>
        %and3A_181 = arith.constant 16383 : i32
        %and3A_182 = vector.broadcast %and3A_181 : i32 to vector<16xi32>
        %and3A_183 = arith.andi %get3A_175, %and3A_182 : vector<16xi32>
        %mul3A_184 = arith.constant 16 : i32
        %mul3A_185 = arith.muli %while3A_163, %mul3A_184 : i32
        %add3A_186 = vector.broadcast %mul3A_185 : i32 to vector<16xi32>
        %add3A_187 = arith.addi %add3A_186, %iota3A : vector<16xi32>
        %lt3A_188 = vector.broadcast %while3A_112 : i32 to vector<16xi32>
        %lt3A_189 = arith.cmpi slt, %add3A_187, %lt3A_188 : vector<16xi32>
        %add3A_190 = arith.constant 16384 : i32
        %add3A_191 = vector.broadcast %add3A_190 : i32 to vector<16xi32>
        %add3A_192 = arith.addi %add3A_191, %iota3A : vector<16xi32>
        %select_n3A_193 = arith.select %lt3A_189, %and3A_183, %add3A_192 : vector<16xi1>, vector<16xi32>
        %swap3A_194 = arith.index_cast %rem3A_166 : i32 to index
        %swap3A_195 = arith.constant 0 : index
        %swap3A_196 = tpu.vector_load %arg12[%swap3A_194, %swap3A_195] {strides = array<i32>} : memref<8x16xi32, #tpu.memory_space<vmem>>, vector<16xi32>,
        tpu.vector_store %arg12[%swap3A_194, %swap3A_195], %select_n3A_193 {strides = array<i32>} : memref<8x16xi32, #tpu.memory_space<vmem>>, vector<16xi32>,
        %scan3A_197 = arith.constant 0 : i32
        %scan3A_198 = arith.constant 0 : i32
        %scan3A_199 = arith.constant 64 : i32
        %scan3A_200 = arith.addi %scan3A_198, %scan3A_199 : i32
        %scan3A_201 = arith.constant 1 : i32
        scf.for %scan3A_214 = %scan3A_198 to %scan3A_200 step %scan3A_201  : i32 {
          %broadcast_in_dim3A_215 = vector.broadcast %scan3A_214 : i32 to vector<16xi32>
          %gather3A = tpu.vector_load_idx %arg10[%broadcast_in_dim3A_215, %and3A_180] : memref<64x64xf32, #tpu.memory_space<vmem>>[vector<16xi32>, vector<16xi32>], vector<16xf32>,
          %broadcast_in_dim3A_216 = vector.broadcast %rem3A_166 : i32 to vector<16xi32>
          %broadcast_in_dim3A_217 = vector.broadcast %scan3A_214 : i32 to vector<16xi32>
          tpu.vector_store_idx %arg11[%broadcast_in_dim3A_216, %iota3A, %broadcast_in_dim3A_217], %gather3A : memref<8x16x128xf32, #tpu.memory_space<vmem>>[vector<16xi32>, vector<16xi32>, vector<16xi32>], vector<16xf32>,
        }
        %scan3A_202 = arith.constant 64 : i32
        %dma_start3A = arith.constant 0 : i32
        %dma_start3A_203 = arith.constant 0 : i32
        %dma_start3A_204 = tpu.memref_slice %arg11[%rem3A_166, %dma_start3A, %dma_start3A_203] : memref<8x16x128xf32, #tpu.memory_space<vmem>> -> memref<1x16x128xf32, #tpu.memory_space<vmem>>
        %dma_start3A_205 = tpu.memref_squeeze %dma_start3A_204 : memref<1x16x128xf32, #tpu.memory_space<vmem>> -> memref<16x128xf32, #tpu.memory_space<vmem>>
        %dma_start3A_206 = arith.constant 0 : i32
        %dma_start3A_207 = tpu.memref_slice %arg12[%rem3A_166, %dma_start3A_206] : memref<8x16xi32, #tpu.memory_space<vmem>> -> memref<1x16xi32, #tpu.memory_space<vmem>>
        %dma_start3A_208 = tpu.memref_squeeze %dma_start3A_207 : memref<1x16xi32, #tpu.memory_space<vmem>> -> memref<16xi32, #tpu.memory_space<vmem>>
        %dma_start3A_209 = arith.constant 0 : i32
        %dma_start3A_210 = arith.constant 0 : i32
        %dma_start3A_211 = tpu.memref_slice %arg5[%dma_start3A_209, %dma_start3A_210] : memref<16400x128xf32, #tpu.memory_space<hbm>> -> memref<16400x128xf32, #tpu.memory_space<hbm>>
        tpu.enqueue_indirect_dma source(%dma_start3A_205 : memref<16x128xf32, #tpu.memory_space<vmem>>) target(%dma_start3A_211 : memref<16400x128xf32, #tpu.memory_space<hbm>>) offsets(%dma_start3A_208 : memref<16xi32, #tpu.memory_space<vmem>>) semaphore(%arg15 : memref<!tpu.dma_semaphore, #tpu.memory_space<semaphore_mem>>)
        %add3A_212 = arith.constant 1 : i32
        %add3A_213 = arith.addi %while3A_164, %add3A_212 : i32
        scf.yield %add3A_213 : i32
      }
      %min3A = arith.constant 1 : i32
      %min3A_152 = arith.minsi %while3A_151, %min3A : i32
      %while3A_153 = arith.constant 0 : i32
      %while3A_154 = arith.constant 0 : i32
      %while3A_155 = arith.subi %min3A_152, %while3A_154 : i32
      %while3A_156 = arith.addi %while3A_154, %while3A_155 : i32
      %while3A_157 = arith.constant 1 : i32
      %while3A_158 = arith.divsi %while3A_155, %while3A_157 : i32
      %while3A_159 = arith.muli %while3A_158, %while3A_157 : i32
      %while3A_160 = arith.addi %while3A_154, %while3A_159 : i32
      %while3A_161 = arith.constant 1 : i32
      scf.for %while3A_163 = %while3A_154 to %while3A_160 step %while3A_161  : i32 {
        %dma_wait3A = arith.constant 0 : i32
        %dma_wait3A_164 = arith.constant 0 : i32
        %dma_wait3A_165 = arith.constant 0 : i32
        %dma_wait3A_166 = arith.constant 0 : i32
        %dma_wait3A_167 = tpu.memref_slice %arg11[%dma_wait3A, %dma_wait3A_165, %dma_wait3A_166] : memref<8x16x128xf32, #tpu.memory_space<vmem>> -> memref<1x16x128xf32, #tpu.memory_space<vmem>>
        %dma_wait3A_168 = tpu.memref_squeeze %dma_wait3A_167 : memref<1x16x128xf32, #tpu.memory_space<vmem>> -> memref<16x128xf32, #tpu.memory_space<vmem>>
        %dma_wait3A_169 = arith.constant 0 : i32
        %dma_wait3A_170 = tpu.memref_slice %arg12[%dma_wait3A_164, %dma_wait3A_169] : memref<8x16xi32, #tpu.memory_space<vmem>> -> memref<1x16xi32, #tpu.memory_space<vmem>>
        %dma_wait3A_171 = tpu.memref_squeeze %dma_wait3A_170 : memref<1x16xi32, #tpu.memory_space<vmem>> -> memref<16xi32, #tpu.memory_space<vmem>>
        %dma_wait3A_172 = arith.constant 0 : i32
        %dma_wait3A_173 = arith.constant 0 : i32
        %dma_wait3A_174 = tpu.memref_slice %arg5[%dma_wait3A_172, %dma_wait3A_173] : memref<16400x128xf32, #tpu.memory_space<hbm>> -> memref<16400x128xf32, #tpu.memory_space<hbm>>
        tpu.wait_indirect_dma semaphore(%arg15 : memref<!tpu.dma_semaphore, #tpu.memory_space<semaphore_mem>>) src(%dma_wait3A_168 : memref<16x128xf32, #tpu.memory_space<vmem>>) dst(%dma_wait3A_174 : memref<16400x128xf32, #tpu.memory_space<hbm>>)
      }
      %while3A_162 = arith.constant 1 : i32
      scf.for %while3A_163 = %while3A_160 to %while3A_156 step %while3A_162  : i32 {
        %dma_wait3A = arith.constant 0 : i32
        %dma_wait3A_164 = arith.constant 0 : i32
        %dma_wait3A_165 = arith.constant 0 : i32
        %dma_wait3A_166 = arith.constant 0 : i32
        %dma_wait3A_167 = tpu.memref_slice %arg11[%dma_wait3A, %dma_wait3A_165, %dma_wait3A_166] : memref<8x16x128xf32, #tpu.memory_space<vmem>> -> memref<1x16x128xf32, #tpu.memory_space<vmem>>
        %dma_wait3A_168 = tpu.memref_squeeze %dma_wait3A_167 : memref<1x16x128xf32, #tpu.memory_space<vmem>> -> memref<16x128xf32, #tpu.memory_space<vmem>>
        %dma_wait3A_169 = arith.constant 0 : i32
        %dma_wait3A_170 = tpu.memref_slice %arg12[%dma_wait3A_164, %dma_wait3A_169] : memref<8x16xi32, #tpu.memory_space<vmem>> -> memref<1x16xi32, #tpu.memory_space<vmem>>
        %dma_wait3A_171 = tpu.memref_squeeze %dma_wait3A_170 : memref<1x16xi32, #tpu.memory_space<vmem>> -> memref<16xi32, #tpu.memory_space<vmem>>
        %dma_wait3A_172 = arith.constant 0 : i32
        %dma_wait3A_173 = arith.constant 0 : i32
        %dma_wait3A_174 = tpu.memref_slice %arg5[%dma_wait3A_172, %dma_wait3A_173] : memref<16400x128xf32, #tpu.memory_space<hbm>> -> memref<16400x128xf32, #tpu.memory_space<hbm>>
        tpu.wait_indirect_dma semaphore(%arg15 : memref<!tpu.dma_semaphore, #tpu.memory_space<semaphore_mem>>) src(%dma_wait3A_168 : memref<16x128xf32, #tpu.memory_space<vmem>>) dst(%dma_wait3A_174 : memref<16400x128xf32, #tpu.memory_space<hbm>>)
      }
    } else {
    }
    %not3A = arith.constant true
    %not3A_98 = arith.xori %eq3A_1, %not3A : i1
    %convert_element_type3A_99 = arith.extui %not3A_98 : i1 to i32
    %cond3A_100 = arith.constant 0 : i32
    %cond3A_101 = arith.cmpi ne, %convert_element_type3A_99, %cond3A_100 : i32
    scf.if %cond3A_101 {
      %min3A = arith.constant 1 : i32
      %min3A_102 = arith.minsi %scan3A_93, %min3A : i32
      %while3A = arith.constant 0 : i32
      %while3A_103 = arith.constant 0 : i32
      %while3A_104 = arith.subi %min3A_102, %while3A_103 : i32
      %while3A_105 = arith.addi %while3A_103, %while3A_104 : i32
      %while3A_106 = arith.constant 1 : i32
      %while3A_107 = arith.divsi %while3A_104, %while3A_106 : i32
      %while3A_108 = arith.muli %while3A_107, %while3A_106 : i32
      %while3A_109 = arith.addi %while3A_103, %while3A_108 : i32
      %while3A_110 = arith.constant 1 : i32
      scf.for %while3A_112 = %while3A_103 to %while3A_109 step %while3A_110  : i32 {
        %dma_wait3A = arith.constant 0 : i32
        %dma_wait3A_113 = arith.constant 0 : i32
        %dma_wait3A_114 = arith.constant 0 : i32
        %dma_wait3A_115 = arith.constant 0 : i32
        %dma_wait3A_116 = tpu.memref_slice %arg11[%dma_wait3A, %dma_wait3A_114, %dma_wait3A_115] : memref<8x16x128xf32, #tpu.memory_space<vmem>> -> memref<1x16x128xf32, #tpu.memory_space<vmem>>
        %dma_wait3A_117 = tpu.memref_squeeze %dma_wait3A_116 : memref<1x16x128xf32, #tpu.memory_space<vmem>> -> memref<16x128xf32, #tpu.memory_space<vmem>>
        %dma_wait3A_118 = arith.constant 0 : i32
        %dma_wait3A_119 = tpu.memref_slice %arg12[%dma_wait3A_113, %dma_wait3A_118] : memref<8x16xi32, #tpu.memory_space<vmem>> -> memref<1x16xi32, #tpu.memory_space<vmem>>
        %dma_wait3A_120 = tpu.memref_squeeze %dma_wait3A_119 : memref<1x16xi32, #tpu.memory_space<vmem>> -> memref<16xi32, #tpu.memory_space<vmem>>
        %dma_wait3A_121 = arith.constant 0 : i32
        %dma_wait3A_122 = arith.constant 0 : i32
        %dma_wait3A_123 = tpu.memref_slice %arg5[%dma_wait3A_121, %dma_wait3A_122] : memref<16400x128xf32, #tpu.memory_space<hbm>> -> memref<16400x128xf32, #tpu.memory_space<hbm>>
        tpu.wait_indirect_dma semaphore(%arg15 : memref<!tpu.dma_semaphore, #tpu.memory_space<semaphore_mem>>) src(%dma_wait3A_117 : memref<16x128xf32, #tpu.memory_space<vmem>>) dst(%dma_wait3A_123 : memref<16400x128xf32, #tpu.memory_space<hbm>>)
      }
      %while3A_111 = arith.constant 1 : i32
      scf.for %while3A_112 = %while3A_109 to %while3A_105 step %while3A_111  : i32 {
        %dma_wait3A = arith.constant 0 : i32
        %dma_wait3A_113 = arith.constant 0 : i32
        %dma_wait3A_114 = arith.constant 0 : i32
        %dma_wait3A_115 = arith.constant 0 : i32
        %dma_wait3A_116 = tpu.memref_slice %arg11[%dma_wait3A, %dma_wait3A_114, %dma_wait3A_115] : memref<8x16x128xf32, #tpu.memory_space<vmem>> -> memref<1x16x128xf32, #tpu.memory_space<vmem>>
        %dma_wait3A_117 = tpu.memref_squeeze %dma_wait3A_116 : memref<1x16x128xf32, #tpu.memory_space<vmem>> -> memref<16x128xf32, #tpu.memory_space<vmem>>
        %dma_wait3A_118 = arith.constant 0 : i32
        %dma_wait3A_119 = tpu.memref_slice %arg12[%dma_wait3A_113, %dma_wait3A_118] : memref<8x16xi32, #tpu.memory_space<vmem>> -> memref<1x16xi32, #tpu.memory_space<vmem>>
        %dma_wait3A_120 = tpu.memref_squeeze %dma_wait3A_119 : memref<1x16xi32, #tpu.memory_space<vmem>> -> memref<16xi32, #tpu.memory_space<vmem>>
        %dma_wait3A_121 = arith.constant 0 : i32
        %dma_wait3A_122 = arith.constant 0 : i32
        %dma_wait3A_123 = tpu.memref_slice %arg5[%dma_wait3A_121, %dma_wait3A_122] : memref<16400x128xf32, #tpu.memory_space<hbm>> -> memref<16400x128xf32, #tpu.memory_space<hbm>>
        tpu.wait_indirect_dma semaphore(%arg15 : memref<!tpu.dma_semaphore, #tpu.memory_space<semaphore_mem>>) src(%dma_wait3A_117 : memref<16x128xf32, #tpu.memory_space<vmem>>) dst(%dma_wait3A_123 : memref<16400x128xf32, #tpu.memory_space<hbm>>)
      }
    } else {
    }
    return
  }
}

</mosaic_0001>

<sc_bundles>
// kernel: kernel.3.cloned.1.call-start
scs
__scs_entry_jumppad:
0x0: {  	(pc) =	sbr.rel $0x88, $3  }
0x1: {  	(tag) =	ssettag $0x0;
	lr =	simm.s32 $0x1  }
0x2: {  	[smem:$0x3F9F] =	sst lr;
	_ =	strace $0xD0000000  }
0x3: {  	_ = 	snop  }
0x4: {  	_ = 	snop  }
0x5: {  	_ = 	snop  }
0x6: {  	_ = 	snop  }
0x7: {  	_ = 	snop  }
__scs_overlays_trampoline_lowered:
0x8: {  	[smem:$0x3FAE] =	sst s0  }
0x9: {  	[smem:$0x3FAF] =	sst s1  }
0xa: {  	[smem:$0x3FB0] =	sst s2  }
0xb: {  	[smem:$0x3FB1] =	sst s3  }
0xc: {  	[smem:$0x3FB2] =	sst s4  }
0xd: {  	[smem:$0x3FB3] =	sst s5  }
0xe: {  	[smem:$0x3FB4] =	sst s6  }
0xf: {  	[smem:$0x3FB5] =	sst s7  }
0x10: {  	[smem:$0x3FB6] =	sst s8  }
0x11: {  	[smem:$0x3FB7] =	sst s9;
	s0 =	simm.s32 @!p0 $0x0  }
0x12: {  	s1 =	sld [smem:$0x3F9D];
	s0 =	simm.s32 @p0 $0x1  }
0x13: {  	[smem:$0x3FB8] =	sst s0;
	s0 =	simm.s32 @!p1 $0x0  }
0x14: {  	s2 =	sld [smem:$0x3F9C];
	s0 =	simm.s32 @p1 $0x1  }
0x15: {  	[smem:$0x3FB9] =	sst s0;
	s0 =	simm.s32 @!p2 $0x0  }
0x16: {  	s3 =	sld [smem:$0x3FDB];
	s0 =	simm.s32 @p2 $0x1  }
0x17: {  	s4 =	simm.s32 $0x1BF5;
	[smem:$0x3FBB] =	sst s0  }
0x18: {  	s0 =	sld [smem:$0x3F9E];
	_ =	swait.ge [sflag:s4], $0x0  }
0x19: {  	s7 =	sld [smem:$0x3F9F]  }
0x1a: {  	s8 =	sadd.s32 $0xFFFFE003, lr  }
0x1b: {  	s9 =	sadd.s32 $0xFFFFFEF7, lr;
	s5 =	simm.s32 $0xFFFFFFFF;
	p2 =	slt.u32 s8, $0xFFFFF086  }
0x1c: {  	p1 =	slt.u32 s9, $0xF7A;
	s5 =	simm.s32 @!p2 $0x0  }
0x1d: {  	s5 =	simm.s32 @p1 $0x1;
	p0 =	seq.s32 s7, s2  }
0x1e: {  	s7 =	smul.u32 @!p0 $0xF7A, s2;
	p2 =	seq.s32 @!p0 s5, $0x0  }
0x1f: {  	s9 =	smul.u32 $0xF7A, s1;
	s8 =	simm.s32 @!p0 $0x1BF5;
	p2 =	por !p2, p0  }
0x20: {  	[sflag:s8] =	ssyncset.s32 @!p0 $0xFFFFF086;
	s6 =	sadd.s32 @!p0 s3, s7;
	s7 =	simm.s32 @!p0 $0x108  }
0x21: {  	s3 =	sadd.s32 s3, s9;
	s6 =	sadd.s32 @!p0 $0x88, s6;
	s7 =	simm.s32 @p2 $0x1082  }
0x22: {  	[simem:s7], [sflag:s8] =	dma.local @!p0 [hbm:s6], $0xF7A  }
0x23: {  	s9 =	sor.u32 $0xD0000000, s2;
	s6 =	simm.s32 $0x108;
	_ =	swait.ge @!p0 [sflag:s8], $0x0  }
0x24: {  	s3 =	sadd.s32 $0x88, s3;
	s6 =	simm.s32 @!p1 $0x1082;
	[sflag:s4] =	ssyncset.s32 $0xFFFFF086  }
0x25: {  	[simem:s6], [sflag:s4] =	dma.local [hbm:s3], $0xF7A  }
0x26: {  	[smem:$0x3F9F] =	sst s1;
	(tag) =	ssettag s2;
	_ =	strace s9  }
0x27: {  	s1 =	sld [smem:$0x3FAF]  }
0x28: {  	s2 =	sld [smem:$0x3FB0]  }
0x29: {  	s4 =	sld [smem:$0x3FB2]  }
0x2a: {  	p0 =	seq.s32 s5, $0x0;
	s5 =	sld [smem:$0x3FB3]  }
0x2b: {  	s6 =	sld [smem:$0x3FB4]  }
0x2c: {  	s7 =	sld [smem:$0x3FB5]  }
0x2d: {  	s3 =	simm.s32 $0x108;
	s8 =	sld [smem:$0x3FB6]  }
0x2e: {  	s3 =	simm.s32 @!p0 $0x1082;
	s9 =	sld [smem:$0x3FB7]  }
0x2f: {  	lr =	sadd.s32 s0, s3;
	s0 =	sld [smem:$0x3FAE]  }
0x30: {  	s3 =	sld [smem:$0x3FB1]  }
0x31: {  	[smem:$0x3FBA] =	sst s10  }
0x32: {  	s10 =	sld [smem:$0x3FB8];
	_ =	sdelay $0x3  }
0x33: {  	p0 =	seq.s32 s10, $0x1;
	s10 =	sld [smem:$0x3FBA];
	_ =	sdelay $0x3  }
0x34: {  	[smem:$0x3FBA] =	sst s10  }
0x35: {  	s10 =	sld [smem:$0x3FB9];
	_ =	sdelay $0x3  }
0x36: {  	p1 =	seq.s32 s10, $0x1;
	s10 =	sld [smem:$0x3FBA];
	_ =	sdelay $0x3  }
0x37: {  	[smem:$0x3FBA] =	sst s10  }
0x38: {  	s10 =	sld [smem:$0x3FBB]  }
0x39: {  	_ = 	snop;
	(pc) =	sbr.ind lr, $3  }
0x3a: {  	_ = 	snop  }
0x3b: {  	_ = 	snop  }
0x3c: {  	p2 =	seq.s32 s10, $0x1;
	s10 =	sld [smem:$0x3FBA]  }
0x3d: {  	_ =	shalt  }
0x3e: {  	_ =	shalt  }
0x3f: {  	_ =	shalt  }
0x40: {  	_ =	shalt  }
0x41: {  	_ =	shalt  }
0x42: {  	_ =	shalt  }
0x43: {  	_ =	shalt  }
0x44: {  	_ =	shalt  }
0x45: {  	_ =	shalt  }
0x46: {  	_ =	shalt  }
0x47: {  	_ =	shalt  }
0x48: {  	_ =	shalt  }
0x49: {  	_ =	shalt  }
0x4a: {  	_ =	shalt  }
0x4b: {  	_ =	shalt  }
0x4c: {  	_ =	shalt  }
0x4d: {  	_ =	shalt  }
0x4e: {  	_ =	shalt  }
0x4f: {  	_ =	shalt  }
0x50: {  	_ =	shalt  }
0x51: {  	_ =	shalt  }
0x52: {  	_ =	shalt  }
0x53: {  	_ =	shalt  }
0x54: {  	_ =	shalt  }
0x55: {  	_ =	shalt  }
0x56: {  	_ =	shalt  }
0x57: {  	_ =	shalt  }
0x58: {  	_ =	shalt  }
0x59: {  	_ =	shalt  }
0x5a: {  	_ =	shalt  }
0x5b: {  	_ =	shalt  }
0x5c: {  	_ =	shalt  }
0x5d: {  	_ =	shalt  }
0x5e: {  	_ =	shalt  }
0x5f: {  	_ =	shalt  }
0x60: {  	_ =	shalt  }
0x61: {  	_ =	shalt  }
0x62: {  	_ =	shalt  }
0x63: {  	_ =	shalt  }
0x64: {  	_ =	shalt  }
0x65: {  	_ =	shalt  }
0x66: {  	_ =	shalt  }
0x67: {  	_ =	shalt  }
0x68: {  	_ =	shalt  }
0x69: {  	_ =	shalt  }
0x6a: {  	_ =	shalt  }
0x6b: {  	_ =	shalt  }
0x6c: {  	_ =	shalt  }
0x6d: {  	_ =	shalt  }
0x6e: {  	_ =	shalt  }
0x6f: {  	_ =	shalt  }
0x70: {  	_ =	shalt  }
0x71: {  	_ =	shalt  }
0x72: {  	_ =	shalt  }
0x73: {  	_ =	shalt  }
0x74: {  	_ =	shalt  }
0x75: {  	_ =	shalt  }
0x76: {  	_ =	shalt  }
0x77: {  	_ =	shalt  }
0x78: {  	_ =	shalt  }
0x79: {  	_ =	shalt  }
0x7a: {  	_ =	shalt  }
0x7b: {  	_ =	shalt  }
0x7c: {  	_ =	shalt  }
0x7d: {  	_ =	shalt  }
0x7e: {  	_ =	shalt  }
0x7f: {  	_ =	shalt  }
0x80: {  	_ =	shalt  }
0x81: {  	_ =	shalt  }
0x82: {  	_ =	shalt  }
0x83: {  	_ =	shalt  }
0x84: {  	_ =	shalt  }
0x85: {  	_ =	shalt  }
0x86: {  	_ =	shalt  }
0x87: {  	_ =	shalt  }
.Lfunc_end0:
.L_simem_size_0:
called_computation_lowered:
.L_overlay_start_0:
0x88: {  	s2 =	sld [smem:$0x3FD9]  }
0x89: {  	s3 =	sld [smem:$0x3FFE];
	_ =	sdelay $0x1  }
0x8a: {  	s1 =	srdreg.scid  }
0x8b: {  	s0 =	sand.u32 $0x1, s1  }
0x8c: {  	s17 =	sshll.u32 s0, $0xA;
	s2 =	sadd.s32 s3, s2  }
0x8d: {  	s2 =	sadd.s32 s2, s17  }
0x8e: {  	[smem:$0x3FC6] =	sst s2  }
0x8f: {  	_ = 	snop  }
0x90: {  	s2 =	sld [smem:$0x3FC9]  }
0x91: {  	s18 =	sld [smem:$0x3FC8]  }
0x92: {  	s4 =	sld [smem:$0x3FD0];
	(tm) =	ssettm $0x1  }
0x93: {  	s5 =	sld [smem:$0x3FFB];
	_ =	sdelay $0x3  }
0x94: {  	_ =	strace s5  }
0x95: {  	s5 =	sld [smem:$0x3FFC];
	_ =	sdelay $0x3  }
0x96: {  	_ =	strace s5  }
0x97: {  	s5 =	sld [smem:$0x3FFD];
	_ =	sdelay $0x3  }
0x98: {  	_ =	strace s5  }
0x99: {  	_ =	strace $0x8FFFFFFF  }
0x9a: {  	s19 =	sld [smem:$0x3FDB];
	_ =	sdelay $0x1  }
0x9b: {  	s6 =	simm.s32 $_scs_section_size  }
0x9c: {  	s7 =	simm.s32 $_size__tile_overlayer_lowered;
	s8 =	simm.s32 $_tile_overlayer_lowered  }
0x9d: {  	s22 =	simm.s32 $0x1BFF;
	s21 =	sshll.u32 s8, $0x1;
	s5 =	sadd.s32 s6, s19  }
0x9e: {  	s9 =	simm.s32 $0x0;
	s20 =	sshll.u32 s7, $0x1;
	s7 =	sadd.s32 s21, s5  }
0x9f: {  	[timem:s9], [sflag:s22] =	dma.local [hbm:s7], s20  }
0xa0: {  	_ =	swait.ge [sflag:s22], s20  }
0xa1: {  	s6 =	ssub.s32 $0x0, s20;
	[sflag:s22] =	ssyncset.done $0x0  }
0xa2: {  	[sflag:s22] =	ssyncadd.s32 s6;
	_ =	sdelay $0x1  }
0xa3: {  	s23 =	simm.s32 $0x1B8B  }
0xa4: {  	_ =	swait.ge [sflag:s23], $0x1  }
0xa5: {  	[sflag:s23] =	ssyncset.done $0x0  }
0xa6: {  	s25 =	simm.s32 $0x1B8E;
	s24 =	sld [smem:$0x3FFE];
	[sflag:s23] =	ssyncadd.s32 $0xFFFFFFFF  }
0xa7: {  	s26 =	simm.s32 $execute0_lowered;
	[smem:$0x3FD2] =	sst s25  }
0xa8: {  	s7 =	sshll.u32 s26, $0x1;
	_ =	strace $0x80000046;
	[dreg:$0x1] =	wrdreg $0xFFFFFFFF  }
0xa9: {  	s28 =	simm.s32 $_size_execute0_lowered;
	s5 =	sadd.s32 s5, s7;
	[dreg:$0x0] =	wrdreg $0x0  }
0xaa: {  	s7 =	sshll.u32 s28, $0x1;
	[dreg:$0x2] =	wrdreg s5  }
0xab: {  	[dreg:$0x3] =	wrdreg s7  }
0xac: {  	[dreg:$0x4] =	wrdreg $0xC0  }
0xad: {  	_ =	task [dreg:s9], $0x5FFFF  }
0xae: {  	[dreg:$0x1] =	wrdreg $0xFFFFFFFF  }
0xaf: {  	[dreg:$0x0] =	wrdreg $0x60  }
0xb0: {  	[dreg:$0x2] =	wrdreg s2  }
0xb1: {  	[dreg:$0x3] =	wrdreg s18  }
0xb2: {  	[dreg:$0x4] =	wrdreg s4  }
0xb3: {  	[dreg:$0x5] =	wrdreg s24  }
0xb4: {  	[dreg:$0x6] =	wrdreg $0x9  }
0xb5: {  	_ =	task.clear_ibuf [dreg:s9], $0x7FFFF;
	_ =	strace $0x90000046  }
0xb6: {  	s29 =	simm.s32 $0x9;
	_ =	strace $0x80000048  }
0xb7: {  	_ =	swait.ge [sflag:s29], $0x1  }
0xb8: {  	[sflag:s29] =	ssyncadd.s32 $0xFFFFFFFF  }
0xb9: {  	_ =	strace $0x90000048  }
0xba: {  	_ =	sfence  }
0xbb: {  	s30 =	sld [smem:$0x0];
	_ =	sdelay $0x2  }
0xbc: {  	s31 =	sshll.u32 s1, $0xD;
	s1 =	sshrl.u32 s1, $0x2  }
0xbd: {  	s3 =	sand.u32 $0x4000, s31;
	s1 =	sadd.s32 s1, s30  }
0xbe: {  	s0 =	sor.u32 s3, s0;
	s1 =	sshll.u32 s1, $0x11  }
0xbf: {  	s0 =	sor.u32 s1, s0  }
0xc0: {  	s0 =	sadd.s32 $0x8F2B, s0  }
0xc1: {  	[sflag:s0] =	ssyncadd.remote.s32 $0x1  }
0xc2: {  	_ =	sfence.sel $0xFFFF  }
0xc3: {  	[dreg:$0x0] =	wrdreg $0xFFFFFFFF;
	(pc) =	sbr.abs _section_cstart, $3  }
0xc4: {  	[dreg:$0x1] =	wrdreg $0xFFFFFFFF  }
0xc5: {  	_ =	task.clear_ibuf [dreg:s9], $0x2FFFF;
	_ =	strace $0x9FFFFFFF  }
0xc6: {  	(tm) =	ssettm $0x7FFFFFFF  }
0xc7: {  	_ =	shalt  }
tec
execute0_lowered:
.L_overlay_start_1:
0x0: {  	(tag) =	ssettag $0x1  }
0x1: {  	s1 =	rddreg [dreg:$0x0]  }
0x2: {  	s2 =	rddreg [dreg:$0x1];
	s0 =	srdreg.scid  }
0x3: {  	s4 =	stileid.u32;
	s3 =	rddreg [dreg:$0x3]  }
0x4: {  	s5 =	simm.s32 $0x0;
	s8 =	simm.s32 $0x3E;
	s11 =	simm.s32 $0x4  }
0x5: {  	s12 =	simm.s32 $0x400;
	s14 =	simm.s32 $0x7A1400;
	s15 =	simm.s32 $0x8500  }
0x6: {  	s16 =	simm.s32 $0x4480;
	s17 =	simm.s32 $0x1A500;
	s18 =	simm.s32 $0x10  }
0x7: {  	s19 =	simm.s32 $0x10500;
	s0 =	sand.u32 $0x1, s0;
	s4 =	sshll.u32 s4, $0x1  }
0x8: {  	s20 =	simm.s32 $0x18500;
	s21 =	simm.s32 $0x3;
	s4 =	sor.u32 s0, s4  }
0x9: {  	[smem:$0x7FF] =	sst s5;
	s6 =	sadd.s32 $0x400, s3;
	s7 =	smul.u32 $0x3D, s4  }
0xa: {  	_ =	strace $0x80000047;
	s0 =	ssub.s32 $0x2, s0;
	s31 =	smul.u32 $0x7A00, s4  }
.Ltmp0:
0xb: {  	p0 =	seq.s32 s4, $0x0;
	s7 =	sadd.s32 $0x1, s7;
	(pc) =	sbr.rel .LBB2_1-.Ltmp0, $4  }
0xc: {  	v3 =	vlaneseq.u32;
	s30 =	sshrl.u32 s0, $0x1;
	p1 =	seq.s32 s4, $0x1F;
	s7 =	simm.s32 @p0 $0x0  }
0xd: {  	v5 =	vor.u32 $0x4010, v3;
	s0 =	ssub.s32 s0, s30;
	s3 =	sadd.s32 $0x7C00, s31;
	s13 =	sshll.u32 s7, $0x9  }
0xe: {  	v4 =	vimm.s32 $0x0;
	v6 =	vor.u32 $0x4000, v3;
	v7 =	vmul.u32 $0x80, v3;
	s8 =	simm.s32 @!p0 $0x3D;
	s3 =	simm.s32 @p1 $0xF4240;
	s9 =	sand.u32 $0x1FFFFE00, s13  }
0xf: {  	s10 =	smax.u32 s0, $0x1;
	v2 =	vmov s8;
	p0 =	sne.s32 s4, $0x1F;
	v1 =	vmov s3;
	v0 =	vmov s13;
	s9 =	sadd.s32 s2, s9  }
.LBB2_46:
0x10: {  	p1 =	slt.s32 s22, $0x1  }
.Ltmp1:
0x11: {  	_ = 	snop;
	(pc) =	sbr.rel @p1 .LBB2_48-.Ltmp1, $1  }
0x12: {  	_ =	sdelay $0x3  }
.LBB2_47:
0x13: {  	_ =	swait.ge [sflag:s21], $0x800  }
0x14: {  	[sflag:s21] =	ssyncset.done $0x0  }
0x15: {  	[sflag:s21] =	ssyncadd.s32 $0xFFFFF800  }
.LBB2_48:
0x16: {  	s5 =	sadd.s32 $0x1, s5  }
0x17: {  	p1 =	sne.s32 s5, s10  }
.Ltmp2:
0x18: {  	_ = 	snop;
	(pc) =	sbr.rel @!p1 .LBB2_49-.Ltmp2, $1  }
0x19: {  	_ =	sdelay $0x3  }
.LBB2_1:
0x1a: {  	s23 =	simm.s32 $0x0;
	s22 =	simm.s32 $0x0;
	s24 =	simm.s32 $0x0  }
.LBB2_2:
0x1b: {  	s0 =	sshll.u32 s24, $0x7  }
0x1c: {  	s3 =	simm.s32 $0x0;
	s0 =	sadd.s32 s1, s0  }
0x1d: {  	[tilespmem:s3], [sflag:$0x4] =	stream.linear.gather [hbm4b:s0+s3], $0x400, $0x38;
	[tilespmem:$0x1E900] =	vst v63  }
0x1e: {  	_ =	swait.ge [sflag:s11], $0x400  }
0x1f: {  	[sflag:s11] =	ssyncset.done $0x0  }
0x20: {  	s31 =	simm.s32 $0x0;
	[sflag:s11] =	ssyncadd.s32 $0xFFFFFC00  }
0x21: {  	v8 =	vld [tilespmem:s31+$0x0];
	_ =	sdelay $0x4  }
0x22: {  	vm0 =	vge.s32 v8, v0;
	vm1 =	vlt.s32 v8, v1  }
0x23: {  	vm0 =	vmand vm0, vm1  }
0x24: {  	v9 =	vsel vm0, $0x1, v4  }
0x25: {  	(xrf0) =	vadd.scan.msk.s32 $0xffff, v9;
	_ =	sdelay $0x2  }
0x26: {  	v63 =	vmov s22  }
0x27: {  	v9 =	vadd.s32 $0xFFFFFFFF, v63  }
0x28: {  	v9 =	vbroadcast v9, $0x0  }
0x29: {  	v10, _, _ =	vpop (xrf0)  }
0x2a: {  	v9 =	vadd.s32 v10, v9;
	(v2sf) =	vpush v10, $0xF  }
0x2b: {  	v9 =	vsel vm0, v9, v5  }
0x2c: {  	v8 =	vsub.s32 v8, v0  }
0x2d: {  	v8 =	vshll.u32 v8, $0xE  }
0x2e: {  	v8 =	vadd.s32 s23, v8  }
0x2f: {  	v8 =	vadd.s32 v3, v8  }
0x30: {  	s25 =	smov.u32 s23;
	s0 =	simm.s32 $0x10;
	s3 =	simm.s32 $0x80;
	[tilespmem:v9+s12+$0x0] =	vst.idx.msk $0xffff, v8  }
.LBB2_3:
0x31: {  	p1 =	sne.s32 s3, $0xFC0;
	v8 =	vld [tilespmem:s0+$0x0];
	_ =	sdelay $0x4  }
0x32: {  	vm0 =	vge.s32 v8, v0;
	vm1 =	vlt.s32 v8, v1;
	v8 =	vsub.s32 v8, v0  }
0x33: {  	vm0 =	vmand vm0, vm1  }
0x34: {  	v9 =	vsel vm0, $0x1, v4  }
0x35: {  	(xrf0) =	vadd.scan.msk.s32 $0xffff, v9;
	s0 =	spop (v2sf)  }
0x36: {  	s22 =	sadd.s32 s22, s0  }
0x37: {  	v9 =	vmov s22  }
0x38: {  	v9 =	vadd.s32 $0xFFFFFFFF, v9  }
0x39: {  	v9 =	vbroadcast v9, $0x0;
	_ =	sdelay $0x1  }
0x3a: {  	v10, _, _ =	vpop (xrf0)  }
0x3b: {  	v9 =	vadd.s32 v10, v9;
	(v2sf) =	vpush v10, $0xF  }
0x3c: {  	v9 =	vsel vm0, v9, v5  }
.Ltmp3:
0x3d: {  	(pc) =	sbr.rel @p1 .LBB2_3-.Ltmp3, $4  }
0x3e: {  	s25 =	sadd.s32 $0x10, s25;
	v8 =	vshll.u32 v8, $0xE  }
0x3f: {  	v8 =	vadd.s32 s25, v8  }
0x40: {  	v8 =	vadd.s32 v3, v8  }
0x41: {  	s0 =	sshra.s32 s3, $0x2;
	s3 =	sadd.s32 $0x40, s3;
	[tilespmem:v9+s12+$0x0] =	vst.idx.msk $0xffff, v8  }
0x42: {  	v8 =	vld [tilespmem:s0+$0x0];
	_ =	sdelay $0x4  }
0x43: {  	vm0 =	vge.s32 v8, v0;
	vm1 =	vlt.s32 v8, v1  }
0x44: {  	vm0 =	vmand vm0, vm1  }
0x45: {  	v9 =	vsel vm0, $0x1, v4  }
0x46: {  	(xrf0) =	vadd.scan.msk.s32 $0xffff, v9;
	_ =	sdelay $0x5  }
0x47: {  	v9, _, _ =	vpop (xrf0)  }
0x48: {  	(v2sf) =	vpush v9, $0xF;
	_ =	sdelay $0x3  }
0x49: {  	s30 =	spop (v2sf)  }
0x4a: {  	s0 =	sadd.s32 s22, s30  }
0x4b: {  	v10 =	vmov s0  }
0x4c: {  	v10 =	vadd.s32 $0xFFFFFFFF, v10  }
0x4d: {  	v10 =	vbroadcast v10, $0x0;
	_ =	sdelay $0x1  }
0x4e: {  	s24 =	sadd.s32 $0x1, s24;
	v9 =	vadd.s32 v9, v10  }
0x4f: {  	p1 =	sne.s32 s24, $0x10;
	v9 =	vsel vm0, v9, v5  }
.Ltmp4:
0x50: {  	v8 =	vsub.s32 v8, v0;
	(pc) =	sbr.rel @p1 .LBB2_2-.Ltmp4, $4  }
0x51: {  	s3 =	sadd.s32 $0x10, s25;
	v8 =	vshll.u32 v8, $0xE  }
0x52: {  	v8 =	vadd.s32 s3, v8  }
0x53: {  	v8 =	vadd.s32 v3, v8;
	s31 =	spop (v2sf)  }
0x54: {  	s23 =	sadd.s32 $0x400, s23;
	[tilespmem:v9+s12+$0x0] =	vst.idx.msk $0xffff, v8;
	s22 =	sadd.s32 s0, s31  }
0x55: {  	s0 =	sand.u32 $0xF, s22  }
0x56: {  	s3 =	sshra.s32 s22, $0x1F;
	p1 =	slt.s32 s22, $0x1;
	p2 =	sne.s32 s0, $0x0  }
0x57: {  	s26 =	sshrl.u32 s3, $0x1C;
	p1 =	por !p1, !p2  }
0x58: {  	s3 =	simm.s32 $0x1;
	s0 =	sadd.s32 s26, s22;
	p1 =	por !p1, !p1  }
0x59: {  	s0 =	sshrl.u32 s0, $0x4;
	s3 =	simm.s32 @!p1 $0x0  }
0x5a: {  	s0 =	ssub.s32 s0, s3  }
0x5b: {  	s0 =	sshll.u32 s0, $0x4  }
0x5c: {  	v8 =	vld [tilespmem:s0+$0x400];
	_ =	sdelay $0x2  }
0x5d: {  	v9 =	vor.u32 s0, v3  }
0x5e: {  	s29 =	sadd.s32 $0xF, s22;
	vm0 =	vlt.s32 v9, s22  }
0x5f: {  	s28 =	simm.s32 $0x1000;
	s4 =	simm.s32 @!p0 $0x18500;
	s31 =	sand.u32 $0xF, s29;
	v8 =	vnsel vm0, $0xFFFFFFFF, v8  }
0x60: {  	s13 =	rddreg [dreg:$0x2];
	p5 =	slt.s32 s29, $0x1;
	p6 =	sne.s32 s31, $0x0;
	[tilespmem:s0+$0x400] =	vst v8  }
0x61: {  	[tilespmem:s15], [sflag:$0x1] =	stream.strided.gather [hbm4b:s9+s28], $0x8000, s14, s28, $0x38;
	[tilespmem:$0x1E900] =	vst v63  }
0x62: {  	s30 =	sshra.s32 s29, $0x1F;
	p1 =	por !p5, !p6;
	s3 =	simm.s32 @!p0 $0x0  }
0x63: {  	[tilespmem:s4], [sflag:$0x4] =	stream.linear.gather @!p0 [hbm4b:s13+s3], $0x2000, $0x38;
	[tilespmem:$0x1E900] =	vst v63  }
.Ltmp5:
0x64: {  	p1 =	por !p1, !p1;
	s3 =	sshrl.u32 s30, $0x1C;
	(pc) =	sbr.rel .LBB2_6-.Ltmp5, $4  }
0x65: {  	s4 =	simm.s32 $0x1;
	s0 =	sadd.s32 s3, s29;
	s3 =	simm.s32 @!p0 $0x4  }
0x66: {  	s4 =	simm.s32 @!p1 $0x0;
	_ =	swait.ge @!p0 [sflag:s3], $0x2000;
	s0 =	sshra.s32 s0, $0x4  }
0x67: {  	s24 =	simm.s32 $0x0;
	[sflag:s3] =	ssyncset.done @!p0 $0x0;
	s23 =	ssub.s32 s0, s4  }
0x68: {  	s22 =	simm.s32 $0x0;
	[sflag:s3] =	ssyncadd.s32 @!p0 $0xFFFFE000;
	p1 =	slt.s32 s23, $0x1  }
.LBB2_31:
0x69: {  	s24 =	sadd.s32 $0x1, s24  }
0x6a: {  	p2 =	sne.s32 s24, $0x1F  }
.Ltmp6:
0x6b: {  	_ = 	snop;
	(pc) =	sbr.rel @!p2 .LBB2_32-.Ltmp6, $1  }
0x6c: {  	_ =	sdelay $0x3  }
.LBB2_6:
0x6d: {  	s25 =	sshllo.u32 s24, $0x1  }
0x6e: {  	p2 =	sge.u32 s25, s8  }
0x6f: {  	s0 =	sadd.s32 @!p2 s7, s25  }
0x70: {  	s26 =	sshll.u32 s24, $0x1;
	s3 =	simm.s32 @!p2 $0x1000;
	s0 =	sshll.u32 @!p2 s0, $0x9  }
0x71: {  	s4 =	simm.s32 @!p2 $0x7A1400;
	s13 =	simm.s32 @!p2 $0x10500;
	s0 =	sadd.s32 @!p2 s2, s0  }
0x72: {  	[tilespmem:s13], [sflag:$0x2] =	stream.strided.gather @!p2 [hbm4b:s0+s3], $0x8000, s4, s3, $0x38;
	[tilespmem:$0x1E900] =	vst v63  }
.Ltmp7:
0x73: {  	p3 =	sge.u32 s26, s8;
	(pc) =	sbr.rel @p1 .LBB2_13-.Ltmp7, $4  }
0x74: {  	s0 =	simm.s32 @!p3 $0x1  }
0x75: {  	_ =	swait.ge @!p3 [sflag:s0], $0x8000  }
0x76: {  	[sflag:s0] =	ssyncset.done @!p3 $0x0  }
0x77: {  	[sflag:s0] =	ssyncadd.s32 @!p3 $0xFFFF8000;
	p3 =	sne.s32 s23, $0x1;
	s0 =	simm.s32 $0x0  }
.Ltmp8:
0x78: {  	(pc) =	sbr.rel @!p3 .LBB2_8-.Ltmp8, $3  }
0x79: {  	_ =	sdelay $0x1  }
0x7a: {  	s0 =	simm.s32 $0x400  }
0x7b: {  	v9 =	vmov s26;
	s28 =	simm.s32 $0x0;
	p4 =	por $0x0, $0x0;
	v8 =	vld [tilespmem:s0+$0x0];
	s0 =	sadd.s32 $0xFFFFFFFF, s23  }
0x7c: {  	_ =	sdelay $0x3  }
0x7d: {  	v10 =	vshrl.u32 v8, $0x17  }
0x7e: {  	vm0 =	veq.s32 v10, v9  }
0x7f: {  	v10 =	vsel vm0, $0x1, v4  }
0x80: {  	(xrf0) =	vadd.scan.msk.s32 $0xffff, v10;
	_ =	sdelay $0x2  }
0x81: {  	v10 =	vmov s28  }
0x82: {  	v10 =	vadd.s32 $0xFFFFFFFF, v10  }
0x83: {  	v10 =	vbroadcast v10, $0x0  }
0x84: {  	v11, _, _ =	vpop (xrf0)  }
0x85: {  	v10 =	vadd.s32 v11, v10;
	(v2sf) =	vpush v11, $0xF  }
0x86: {  	v10 =	vsel vm0, v10, v5  }
0x87: {  	p5 =	sne.s32 s0, $0x1  }
.Ltmp9:
0x88: {  	_ = 	snop;
	(pc) =	sbr.rel @!p5 .LBB2_10-.Ltmp9, $3  }
0x89: {  	_ =	sdelay $0x1  }
0x8a: {  	s3 =	simm.s32 $0x410;
	[tilespmem:v10+s16+$0x0] =	vst.idx.msk $0xffff, v8  }
0x8b: {  	s0 =	sadd.s32 $0xFFFFFFFF, s0;
	p4 =	por $0x1, $0x1;
	s29 =	simm.s32 $0x0;
	v8 =	vld [tilespmem:s3+$0x0]  }
.LBB2_11:
0x8c: {  	p5 =	sne.s32 s0, $0x1;
	_ =	sdelay $0x3  }
0x8d: {  	v10 =	vshrl.u32 v8, $0x17  }
0x8e: {  	vm0 =	veq.s32 v10, v9  }
0x8f: {  	v10 =	vsel vm0, $0x1, v4  }
0x90: {  	(xrf0) =	vadd.scan.msk.s32 $0xffff, v10;
	s4 =	spop (v2sf)  }
0x91: {  	s29 =	sadd.s32 s29, s4  }
0x92: {  	v10 =	vmov s29  }
0x93: {  	v10 =	vadd.s32 $0xFFFFFFFF, v10  }
0x94: {  	v10 =	vbroadcast v10, $0x0;
	_ =	sdelay $0x1  }
0x95: {  	v11, _, _ =	vpop (xrf0)  }
0x96: {  	v10 =	vadd.s32 v11, v10;
	(v2sf) =	vpush v11, $0xF  }
0x97: {  	v10 =	vsel vm0, v10, v5;
	_ =	sdelay $0x1  }
.Ltmp10:
0x98: {  	(pc) =	sbr.rel @p5 .LBB2_11-.Ltmp10, $3  }
0x99: {  	_ =	sdelay $0x1  }
0x9a: {  	s3 =	sadd.s32 $0x10, s3;
	[tilespmem:v10+s16+$0x0] =	vst.idx.msk $0xffff, v8  }
0x9b: {  	s0 =	sadd.s32 $0xFFFFFFFF, s0;
	v8 =	vld [tilespmem:s3+$0x0]  }
.LBB2_12:
0x9c: {  	_ =	sdelay $0x3  }
0x9d: {  	v10 =	vshrl.u32 v8, $0x17  }
0x9e: {  	vm0 =	veq.s32 v10, v9  }
0x9f: {  	v9 =	vsel vm0, $0x1, v4  }
0xa0: {  	(xrf0) =	vadd.scan.msk.s32 $0xffff, v9;
	_ =	sdelay $0x5  }
0xa1: {  	v9, _, _ =	vpop (xrf0)  }
0xa2: {  	(v2sf) =	vpush v9, $0xF;
	_ =	sdelay $0x2  }
0xa3: {  	s0 =	spop @p4 (v2sf)  }
0xa4: {  	s0 =	sadd.s32 @p4 s29, s0  }
0xa5: {  	s28 =	smov.u32 @p4 s0  }
0xa6: {  	v63 =	vmov s28  }
0xa7: {  	v10 =	vadd.s32 $0xFFFFFFFF, v63  }
0xa8: {  	v10 =	vbroadcast v10, $0x0;
	_ =	sdelay $0x1  }
0xa9: {  	v9 =	vadd.s32 v9, v10  }
0xaa: {  	v9 =	vsel vm0, v9, v5;
	_ =	sdelay $0x3  }
0xab: {  	s31 =	spop (v2sf)  }
0xac: {  	[tilespmem:v9+s16+$0x0] =	vst.idx.msk $0xffff, v8;
	s0 =	sadd.s32 s28, s31  }
.LBB2_13:
0xad: {  	s3 =	sadd.s32 $0xF, s0  }
0xae: {  	s4 =	sand.u32 $0xF, s3  }
0xaf: {  	s13 =	sshra.s32 s3, $0x1F;
	p4 =	slt.s32 s3, $0x1;
	p5 =	sne.s32 s4, $0x0  }
0xb0: {  	s31 =	sshrl.u32 s13, $0x1C;
	p4 =	por !p4, !p5  }
0xb1: {  	s4 =	simm.s32 $0x1;
	s3 =	sadd.s32 s31, s3;
	p4 =	por !p4, !p4  }
0xb2: {  	s3 =	sshra.s32 s3, $0x4;
	s4 =	simm.s32 @!p4 $0x0  }
0xb3: {  	s28 =	ssub.s32 s3, s4  }
0xb4: {  	p4 =	slt.s32 s28, $0x1  }
.Ltmp11:
0xb5: {  	_ = 	snop;
	(pc) =	sbr.rel @p4 .LBB2_18-.Ltmp11, $1  }
0xb6: {  	_ =	sdelay $0x3  }
0xb7: {  	v8 =	vmov s0;
	s29 =	simm.s32 $0x0;
	s30 =	simm.s32 $0x0  }
.LBB2_15:
0xb8: {  	p4 =	slt.s32 s22, $0x1  }
0xb9: {  	s0 =	simm.s32 @!p4 $0x3  }
0xba: {  	_ =	swait.ge @!p4 [sflag:s0], $0x800  }
0xbb: {  	[sflag:s0] =	ssyncset.done @!p4 $0x0  }
0xbc: {  	s13 =	sshll.u32 s30, $0x4;
	[sflag:s0] =	ssyncadd.s32 @!p4 $0xFFFFF800  }
0xbd: {  	v10 =	vld [tilespmem:s13+$0x4480];
	_ =	sdelay $0x4  }
0xbe: {  	v12 =	vmov s29;
	v9 =	vshrl.u32 v10, $0xE;
	v11 =	vshrl.u32 v10, $0xB  }
0xbf: {  	s3 =	sshra.s32 s22, $0x1F;
	v13 =	vshll.u32 v12, $0x9;
	v9 =	vand.u32 $0x7F, v9;
	v11 =	vand.u32 $0xC00, v11  }
0xc0: {  	s3 =	sshrl.u32 s3, $0x1D;
	v12 =	vshll.u32 v12, $0x7;
	v9 =	vor.u32 v11, v9;
	v11 =	vand.u32 $0x7000, v13  }
0xc1: {  	s3 =	sadd.s32 s3, s22;
	v12 =	vand.u32 $0x380, v12;
	v11 =	vor.u32 v11, v9  }
0xc2: {  	s4 =	sand.u32 $0xFFFFFFF8, s3;
	v11 =	vor.u32 v12, v11  }
0xc3: {  	s3 =	simm.s32 $0x1;
	s31 =	ssub.s32 s22, s4;
	v12 =	vor.u32 s13, v3  }
0xc4: {  	v10 =	vand.u32 $0x3FFF, v10;
	v13 =	vmov s3;
	s13 =	sshll.u32 s31, $0x9;
	vm0 =	vlt.s32 v12, v8  }
0xc5: {  	s4 =	sshll.u32 s31, $0xB;
	v12 =	vshll.u32 v13, $0x9;
	s0 =	sshra.s32 s13, $0x2;
	v10 =	vsel vm0, v10, v6  }
0xc6: {  	v13 =	vshll.u32 v13, $0x7;
	v12 =	vand.u32 $0x7000, v12;
	[tilespmem:s0+$0x1E500] =	vst v10;
	v10 =	vor.u32 s4, v7  }
0xc7: {  	v14 =	vand.u32 $0x380, v13;
	v12 =	vor.u32 v12, v9;
	v13 =	vor.u32 s29, v10;
	v11 =	vld.idx.msk [tilespmem:v11+s15+$0x0], $0xffff  }
0xc8: {  	v12 =	vor.u32 v14, v12;
	_ =	sdelay $0x1  }
0xc9: {  	s4 =	simm.s32 $0x2  }
0xca: {  	s13 =	simm.s32 $0x3;
	s0 =	sadd.s32 $0x1E500, s0;
	v14 =	vmov s4  }
.LBB2_16:
0xcb: {  	p4 =	sne.s32 s13, $0x3F;
	v15 =	vshll.u32 v14, $0x9;
	[tilespmem:v13+s17+$0x0] =	vst.idx.msk $0xffff, v11  }
0xcc: {  	v14 =	vshll.u32 v14, $0x7;
	v13 =	vand.u32 $0x7000, v15;
	v11 =	vld.idx.msk [tilespmem:v12+s15+$0x0], $0xffff  }
.Ltmp12:
0xcd: {  	v12 =	vand.u32 $0x380, v14;
	v14 =	vor.u32 v13, v9;
	v13 =	vor.u32 s3, v10;
	s3 =	smov.u32 s4;
	s4 =	smov.u32 s13;
	(pc) =	sbr.rel @p4 .LBB2_16-.Ltmp12, $2  }
0xce: {  	v12 =	vor.u32 v12, v14;
	_ =	sdelay $0x2  }
0xcf: {  	s13 =	sadd.s32 $0x1, s13;
	v14 =	vmov s4  }
0xd0: {  	_ =	sdelay $0x2  }
0xd1: {  	v15 =	vshll.u32 v14, $0x9  }
0xd2: {  	[tilespmem:v13+s17+$0x0] =	vst.idx.msk $0xffff, v11;
	v63 =	vshll.u32 v14, $0x7;
	v11 =	vand.u32 $0x7000, v15  }
0xd3: {  	v12 =	vld.idx.msk [tilespmem:v12+s15+$0x0], $0xffff;
	v13 =	vand.u32 $0x380, v63;
	v9 =	vor.u32 v11, v9;
	v11 =	vor.u32 s3, v10  }
0xd4: {  	v9 =	vor.u32 v13, v9;
	_ =	sdelay $0x3  }
0xd5: {  	[tilespmem:v11+s17+$0x0] =	vst.idx.msk $0xffff, v12  }
0xd6: {  	s30 =	sadd.s32 $0x1, s30;
	v10 =	vor.u32 s4, v10;
	v9 =	vld.idx.msk [tilespmem:v9+s15+$0x0], $0xffff  }
0xd7: {  	p4 =	sne.s32 s30, s28  }
.Ltmp13:
0xd8: {  	_ = 	snop;
	(pc) =	sbr.rel @p4 .LBB2_15-.Ltmp13, $4  }
0xd9: {  	s31 =	sshll.u32 s31, $0xD  }
0xda: {  	s3 =	sshra.s32 s31, $0x2  }
0xdb: {  	s22 =	sadd.s32 $0x1, s22;
	s3 =	sadd.s32 $0x1A500, s3;
	[tilespmem:v10+s17+$0x0] =	vst.idx.msk $0xffff, v9  }
0xdc: {  	[hbm4b:s6+s18] =	stream.indirect.scatter [tilespmem:s3], [sflag:$0x3], $0x80, s0, s18, $0xb8;
	[tilespmem:$0x1E900] =	vst v63  }
.LBB2_18:
0xdd: {  	s0 =	sadd.s32 $0x2, s26  }
0xde: {  	p4 =	sge.u32 s0, s8  }
0xdf: {  	s0 =	sadd.s32 @!p4 s7, s0  }
0xe0: {  	s3 =	simm.s32 @!p4 $0x1000;
	s0 =	sshll.u32 @!p4 s0, $0x9  }
0xe1: {  	s4 =	simm.s32 @!p4 $0x7A1400;
	s13 =	simm.s32 @!p4 $0x8500;
	s0 =	sadd.s32 @!p4 s2, s0  }
0xe2: {  	[tilespmem:s13], [sflag:$0x1] =	stream.strided.gather @!p4 [hbm4b:s0+s3], $0x8000, s4, s3, $0x38;
	[tilespmem:$0x1E900] =	vst v63  }
.Ltmp14:
0xe3: {  	_ = 	snop;
	(pc) =	sbr.rel @p1 .LBB2_19-.Ltmp14, $4  }
0xe4: {  	s0 =	simm.s32 @!p2 $0x2  }
0xe5: {  	_ =	swait.ge @!p2 [sflag:s0], $0x8000  }
0xe6: {  	[sflag:s0] =	ssyncset.done @!p2 $0x0  }
0xe7: {  	[sflag:s0] =	ssyncadd.s32 @!p2 $0xFFFF8000  }
.Ltmp15:
0xe8: {  	(pc) =	sbr.rel @!p3 .LBB2_21-.Ltmp15, $3  }
0xe9: {  	_ =	sdelay $0x1  }
0xea: {  	s0 =	simm.s32 $0x400  }
0xeb: {  	v9 =	vmov s25;
	s25 =	simm.s32 $0x0;
	p2 =	por $0x0, $0x0;
	v8 =	vld [tilespmem:s0+$0x0];
	s0 =	sadd.s32 $0xFFFFFFFF, s23  }
0xec: {  	_ =	sdelay $0x3  }
0xed: {  	v10 =	vshrl.u32 v8, $0x17  }
0xee: {  	vm0 =	veq.s32 v10, v9  }
0xef: {  	v10 =	vsel vm0, $0x1, v4  }
0xf0: {  	(xrf0) =	vadd.scan.msk.s32 $0xffff, v10;
	_ =	sdelay $0x2  }
0xf1: {  	v10 =	vmov s25  }
0xf2: {  	v10 =	vadd.s32 $0xFFFFFFFF, v10  }
0xf3: {  	v10 =	vbroadcast v10, $0x0  }
0xf4: {  	v11, _, _ =	vpop (xrf0)  }
0xf5: {  	v10 =	vadd.s32 v11, v10;
	(v2sf) =	vpush v11, $0xF  }
0xf6: {  	v10 =	vsel vm0, v10, v5  }
0xf7: {  	p3 =	sne.s32 s0, $0x1  }
.Ltmp16:
0xf8: {  	_ = 	snop;
	(pc) =	sbr.rel @!p3 .LBB2_23-.Ltmp16, $3  }
0xf9: {  	_ =	sdelay $0x1  }
0xfa: {  	s3 =	simm.s32 $0x410;
	[tilespmem:v10+s16+$0x0] =	vst.idx.msk $0xffff, v8  }
0xfb: {  	s0 =	sadd.s32 $0xFFFFFFFF, s0;
	p2 =	por $0x1, $0x1;
	s26 =	simm.s32 $0x0;
	v8 =	vld [tilespmem:s3+$0x0]  }
.LBB2_24:
0xfc: {  	p3 =	sne.s32 s0, $0x1;
	_ =	sdelay $0x3  }
0xfd: {  	v10 =	vshrl.u32 v8, $0x17  }
0xfe: {  	vm0 =	veq.s32 v10, v9  }
0xff: {  	v10 =	vsel vm0, $0x1, v4  }
0x100: {  	(xrf0) =	vadd.scan.msk.s32 $0xffff, v10;
	s4 =	spop (v2sf)  }
0x101: {  	s26 =	sadd.s32 s26, s4  }
0x102: {  	v10 =	vmov s26  }
0x103: {  	v10 =	vadd.s32 $0xFFFFFFFF, v10  }
0x104: {  	v10 =	vbroadcast v10, $0x0;
	_ =	sdelay $0x1  }
0x105: {  	v11, _, _ =	vpop (xrf0)  }
0x106: {  	v10 =	vadd.s32 v11, v10;
	(v2sf) =	vpush v11, $0xF  }
0x107: {  	v10 =	vsel vm0, v10, v5;
	_ =	sdelay $0x1  }
.Ltmp17:
0x108: {  	(pc) =	sbr.rel @p3 .LBB2_24-.Ltmp17, $3  }
0x109: {  	_ =	sdelay $0x1  }
0x10a: {  	s3 =	sadd.s32 $0x10, s3;
	[tilespmem:v10+s16+$0x0] =	vst.idx.msk $0xffff, v8  }
0x10b: {  	s0 =	sadd.s32 $0xFFFFFFFF, s0;
	v8 =	vld [tilespmem:s3+$0x0]  }
.LBB2_25:
0x10c: {  	_ =	sdelay $0x3  }
0x10d: {  	v10 =	vshrl.u32 v8, $0x17  }
0x10e: {  	vm0 =	veq.s32 v10, v9  }
0x10f: {  	v9 =	vsel vm0, $0x1, v4  }
0x110: {  	(xrf0) =	vadd.scan.msk.s32 $0xffff, v9;
	_ =	sdelay $0x5  }
0x111: {  	v9, _, _ =	vpop (xrf0)  }
0x112: {  	(v2sf) =	vpush v9, $0xF;
	_ =	sdelay $0x2  }
0x113: {  	s0 =	spop @p2 (v2sf)  }
0x114: {  	s0 =	sadd.s32 @p2 s26, s0  }
0x115: {  	s25 =	smov.u32 @p2 s0  }
0x116: {  	v63 =	vmov s25  }
0x117: {  	v10 =	vadd.s32 $0xFFFFFFFF, v63  }
0x118: {  	v10 =	vbroadcast v10, $0x0;
	_ =	sdelay $0x1  }
0x119: {  	v9 =	vadd.s32 v9, v10  }
0x11a: {  	v9 =	vsel vm0, v9, v5  }
.Ltmp18:
0x11b: {  	_ = 	snop;
	(pc) =	sbr.rel .LBB2_26-.Ltmp18, $3  }
0x11c: {  	_ =	sdelay $0x1  }
0x11d: {  	s31 =	spop (v2sf)  }
0x11e: {  	[tilespmem:v9+s16+$0x0] =	vst.idx.msk $0xffff, v8;
	s0 =	sadd.s32 s25, s31  }
.LBB2_19:
0x11f: {  	s0 =	simm.s32 $0x0  }
.LBB2_26:
0x120: {  	s3 =	sadd.s32 $0xF, s0  }
0x121: {  	s4 =	sand.u32 $0xF, s3  }
0x122: {  	s13 =	sshra.s32 s3, $0x1F;
	p2 =	slt.s32 s3, $0x1;
	p3 =	sne.s32 s4, $0x0  }
0x123: {  	s31 =	sshrl.u32 s13, $0x1C;
	p2 =	por !p2, !p3  }
0x124: {  	s4 =	simm.s32 $0x1;
	s3 =	sadd.s32 s31, s3;
	p2 =	por !p2, !p2  }
0x125: {  	s3 =	sshra.s32 s3, $0x4;
	s4 =	simm.s32 @!p2 $0x0  }
0x126: {  	s25 =	ssub.s32 s3, s4  }
0x127: {  	p2 =	slt.s32 s25, $0x1  }
.Ltmp19:
0x128: {  	_ = 	snop;
	(pc) =	sbr.rel @p2 .LBB2_31-.Ltmp19, $1  }
0x129: {  	_ =	sdelay $0x3  }
0x12a: {  	v8 =	vmov s0;
	s26 =	simm.s32 $0x0;
	s28 =	simm.s32 $0x0  }
.LBB2_28:
0x12b: {  	p2 =	slt.s32 s22, $0x1  }
0x12c: {  	s0 =	simm.s32 @!p2 $0x3  }
0x12d: {  	_ =	swait.ge @!p2 [sflag:s0], $0x800  }
0x12e: {  	[sflag:s0] =	ssyncset.done @!p2 $0x0  }
0x12f: {  	s30 =	sshll.u32 s28, $0x4;
	[sflag:s0] =	ssyncadd.s32 @!p2 $0xFFFFF800  }
0x130: {  	v10 =	vld [tilespmem:s30+$0x4480];
	_ =	sdelay $0x4  }
0x131: {  	v12 =	vmov s26;
	v9 =	vshrl.u32 v10, $0xE;
	v11 =	vshrl.u32 v10, $0xB  }
0x132: {  	s3 =	sshra.s32 s22, $0x1F;
	v13 =	vshll.u32 v12, $0x9;
	v9 =	vand.u32 $0x7F, v9;
	v11 =	vand.u32 $0xC00, v11  }
0x133: {  	s3 =	sshrl.u32 s3, $0x1D;
	v12 =	vshll.u32 v12, $0x7;
	v9 =	vor.u32 v11, v9;
	v11 =	vand.u32 $0x7000, v13  }
0x134: {  	s3 =	sadd.s32 s3, s22;
	v12 =	vand.u32 $0x380, v12;
	v11 =	vor.u32 v11, v9  }
0x135: {  	s4 =	sand.u32 $0xFFFFFFF8, s3;
	v11 =	vor.u32 v12, v11  }
0x136: {  	s3 =	simm.s32 $0x1;
	s29 =	ssub.s32 s22, s4;
	v12 =	vor.u32 s30, v3  }
0x137: {  	s31 =	sshll.u32 s29, $0x9;
	v10 =	vand.u32 $0x3FFF, v10;
	v13 =	vmov s3;
	vm0 =	vlt.s32 v12, v8  }
0x138: {  	s4 =	sshll.u32 s29, $0xB;
	s0 =	sshra.s32 s31, $0x2;
	v12 =	vshll.u32 v13, $0x9;
	v10 =	vsel vm0, v10, v6  }
0x139: {  	v13 =	vshll.u32 v13, $0x7;
	v12 =	vand.u32 $0x7000, v12;
	[tilespmem:s0+$0x1E500] =	vst v10;
	v10 =	vor.u32 s4, v7  }
0x13a: {  	v14 =	vand.u32 $0x380, v13;
	v12 =	vor.u32 v12, v9;
	v13 =	vor.u32 s26, v10;
	v11 =	vld.idx.msk [tilespmem:v11+s19+$0x0], $0xffff  }
0x13b: {  	v12 =	vor.u32 v14, v12;
	_ =	sdelay $0x1  }
0x13c: {  	s4 =	simm.s32 $0x2  }
0x13d: {  	s13 =	simm.s32 $0x3;
	s0 =	sadd.s32 $0x1E500, s0;
	v14 =	vmov s4  }
.LBB2_29:
0x13e: {  	p2 =	sne.s32 s13, $0x3F;
	v15 =	vshll.u32 v14, $0x9;
	[tilespmem:v13+s17+$0x0] =	vst.idx.msk $0xffff, v11  }
0x13f: {  	v14 =	vshll.u32 v14, $0x7;
	v13 =	vand.u32 $0x7000, v15;
	v11 =	vld.idx.msk [tilespmem:v12+s19+$0x0], $0xffff  }
.Ltmp20:
0x140: {  	v12 =	vand.u32 $0x380, v14;
	v14 =	vor.u32 v13, v9;
	v13 =	vor.u32 s3, v10;
	s3 =	smov.u32 s4;
	s4 =	smov.u32 s13;
	(pc) =	sbr.rel @p2 .LBB2_29-.Ltmp20, $2  }
0x141: {  	v12 =	vor.u32 v12, v14;
	_ =	sdelay $0x2  }
0x142: {  	s13 =	sadd.s32 $0x1, s13;
	v14 =	vmov s4  }
0x143: {  	_ =	sdelay $0x2  }
0x144: {  	v15 =	vshll.u32 v14, $0x9  }
0x145: {  	[tilespmem:v13+s17+$0x0] =	vst.idx.msk $0xffff, v11;
	v63 =	vshll.u32 v14, $0x7;
	v11 =	vand.u32 $0x7000, v15  }
0x146: {  	v12 =	vld.idx.msk [tilespmem:v12+s19+$0x0], $0xffff;
	v13 =	vand.u32 $0x380, v63;
	v9 =	vor.u32 v11, v9;
	v11 =	vor.u32 s3, v10  }
0x147: {  	v9 =	vor.u32 v13, v9;
	_ =	sdelay $0x3  }
0x148: {  	[tilespmem:v11+s17+$0x0] =	vst.idx.msk $0xffff, v12  }
0x149: {  	s28 =	sadd.s32 $0x1, s28;
	v10 =	vor.u32 s4, v10;
	v9 =	vld.idx.msk [tilespmem:v9+s19+$0x0], $0xffff  }
0x14a: {  	p2 =	sne.s32 s28, s25  }
.Ltmp21:
0x14b: {  	_ = 	snop;
	(pc) =	sbr.rel @p2 .LBB2_28-.Ltmp21, $4  }
.Ltmp22:
0x14c: {  	s31 =	sshll.u32 s29, $0xD;
	(pc) =	sbr.rel @!p2 .LBB2_31-.Ltmp22, $4  }
0x14d: {  	s3 =	sshra.s32 s31, $0x2  }
0x14e: {  	s22 =	sadd.s32 $0x1, s22;
	s3 =	sadd.s32 $0x1A500, s3;
	[tilespmem:v10+s17+$0x0] =	vst.idx.msk $0xffff, v9  }
0x14f: {  	[hbm4b:s6+s18] =	stream.indirect.scatter [tilespmem:s3], [sflag:$0x3], $0x80, s0, s18, $0xb8;
	[tilespmem:$0x1E900] =	vst v63  }
0x150: {  	_ = 	snop  }
.LBB2_8:
.Ltmp23:
0x151: {  	(pc) =	sbr.rel .LBB2_12-.Ltmp23, $2  }
0x152: {  	_ =	sdelay $0x2  }
0x153: {  	s29 =	simm.s32 $0x0  }
.LBB2_21:
.Ltmp24:
0x154: {  	(pc) =	sbr.rel .LBB2_25-.Ltmp24, $2  }
0x155: {  	_ =	sdelay $0x2  }
0x156: {  	s26 =	simm.s32 $0x0  }
.LBB2_10:
.Ltmp25:
0x157: {  	(pc) =	sbr.rel .LBB2_12-.Ltmp25, $2  }
0x158: {  	_ =	sdelay $0x2  }
0x159: {  	s29 =	simm.s32 $0x0  }
.LBB2_23:
.Ltmp26:
0x15a: {  	(pc) =	sbr.rel .LBB2_25-.Ltmp26, $2  }
0x15b: {  	_ =	sdelay $0x2  }
0x15c: {  	s26 =	simm.s32 $0x0  }
.LBB2_32:
.Ltmp27:
0x15d: {  	(pc) =	sbr.rel @p0 .LBB2_46-.Ltmp27, $1  }
0x15e: {  	_ =	sdelay $0x3  }
.Ltmp28:
0x15f: {  	(pc) =	sbr.rel @p1 .LBB2_40-.Ltmp28, $2  }
0x160: {  	_ =	sdelay $0x2  }
0x161: {  	s24 =	simm.s32 $0x0;
	s0 =	simm.s32 $0x400  }
0x162: {  	p2 =	sne.s32 s23, $0x1  }
.Ltmp29:
0x163: {  	_ = 	snop;
	(pc) =	sbr.rel @!p2 .LBB2_35-.Ltmp29, $2  }
0x164: {  	_ =	sdelay $0x2  }
0x165: {  	v8 =	vld [tilespmem:s0+$0x0];
	s4 =	sadd.s32 $0xFFFFFFFF, s23;
	p1 =	por $0x0, $0x0  }
0x166: {  	_ =	sdelay $0x3  }
0x167: {  	v9 =	vshrl.u32 v8, $0x17  }
0x168: {  	vm0 =	veq.s32 v9, v2  }
0x169: {  	v9 =	vsel vm0, $0x1, v4  }
0x16a: {  	(xrf0) =	vadd.scan.msk.s32 $0xffff, v9;
	_ =	sdelay $0x2  }
0x16b: {  	v9 =	vmov s24  }
0x16c: {  	v9 =	vadd.s32 $0xFFFFFFFF, v9  }
0x16d: {  	v9 =	vbroadcast v9, $0x0  }
0x16e: {  	v10, _, _ =	vpop (xrf0)  }
0x16f: {  	v9 =	vadd.s32 v10, v9;
	(v2sf) =	vpush v10, $0xF  }
0x170: {  	v9 =	vsel vm0, v9, v5  }
0x171: {  	p2 =	sne.s32 s4, $0x1  }
.Ltmp30:
0x172: {  	_ = 	snop;
	(pc) =	sbr.rel @!p2 .LBB2_37-.Ltmp30, $3  }
0x173: {  	_ =	sdelay $0x1  }
0x174: {  	s3 =	sadd.s32 $0x10, s0;
	[tilespmem:v9+s16+$0x0] =	vst.idx.msk $0xffff, v8  }
0x175: {  	s0 =	sadd.s32 $0xFFFFFFFF, s4;
	p1 =	por $0x1, $0x1;
	s23 =	simm.s32 $0x0;
	v8 =	vld [tilespmem:s3+$0x0]  }
.LBB2_38:
0x176: {  	p2 =	sne.s32 s0, $0x1;
	_ =	sdelay $0x3  }
0x177: {  	v9 =	vshrl.u32 v8, $0x17  }
0x178: {  	vm0 =	veq.s32 v9, v2  }
0x179: {  	v9 =	vsel vm0, $0x1, v4  }
0x17a: {  	(xrf0) =	vadd.scan.msk.s32 $0xffff, v9;
	s4 =	spop (v2sf)  }
0x17b: {  	s23 =	sadd.s32 s23, s4  }
0x17c: {  	v9 =	vmov s23  }
0x17d: {  	v9 =	vadd.s32 $0xFFFFFFFF, v9  }
0x17e: {  	v9 =	vbroadcast v9, $0x0;
	_ =	sdelay $0x1  }
0x17f: {  	v10, _, _ =	vpop (xrf0)  }
0x180: {  	v9 =	vadd.s32 v10, v9;
	(v2sf) =	vpush v10, $0xF  }
0x181: {  	v9 =	vsel vm0, v9, v5;
	_ =	sdelay $0x1  }
.Ltmp31:
0x182: {  	(pc) =	sbr.rel @p2 .LBB2_38-.Ltmp31, $3  }
0x183: {  	_ =	sdelay $0x1  }
0x184: {  	s3 =	sadd.s32 $0x10, s3;
	[tilespmem:v9+s16+$0x0] =	vst.idx.msk $0xffff, v8  }
0x185: {  	s0 =	sadd.s32 $0xFFFFFFFF, s0;
	v8 =	vld [tilespmem:s3+$0x0]  }
.LBB2_39:
0x186: {  	_ =	sdelay $0x3  }
0x187: {  	v9 =	vshrl.u32 v8, $0x17  }
0x188: {  	vm0 =	veq.s32 v9, v2  }
0x189: {  	v9 =	vsel vm0, $0x1, v4  }
0x18a: {  	(xrf0) =	vadd.scan.msk.s32 $0xffff, v9;
	_ =	sdelay $0x5  }
0x18b: {  	v9, _, _ =	vpop (xrf0)  }
0x18c: {  	(v2sf) =	vpush v9, $0xF;
	_ =	sdelay $0x2  }
0x18d: {  	s0 =	spop @p1 (v2sf)  }
0x18e: {  	s0 =	sadd.s32 @p1 s23, s0  }
0x18f: {  	s24 =	smov.u32 @p1 s0  }
0x190: {  	v10 =	vmov s24  }
0x191: {  	v10 =	vadd.s32 $0xFFFFFFFF, v10  }
0x192: {  	v10 =	vbroadcast v10, $0x0;
	_ =	sdelay $0x1  }
0x193: {  	v9 =	vadd.s32 v9, v10  }
0x194: {  	v9 =	vsel vm0, v9, v5;
	_ =	sdelay $0x3  }
0x195: {  	s31 =	spop (v2sf)  }
0x196: {  	[tilespmem:v9+s16+$0x0] =	vst.idx.msk $0xffff, v8;
	s24 =	sadd.s32 s24, s31  }
.LBB2_40:
0x197: {  	s0 =	sadd.s32 $0xF, s24  }
0x198: {  	s3 =	sand.u32 $0xF, s0  }
0x199: {  	s4 =	sshra.s32 s0, $0x1F;
	p1 =	slt.s32 s0, $0x1;
	p2 =	sne.s32 s3, $0x0  }
0x19a: {  	s31 =	sshrl.u32 s4, $0x1C;
	p1 =	por !p1, !p2  }
0x19b: {  	s3 =	simm.s32 $0x1;
	s0 =	sadd.s32 s31, s0;
	p1 =	por !p1, !p1  }
0x19c: {  	s0 =	sshra.s32 s0, $0x4;
	s3 =	simm.s32 @!p1 $0x0  }
0x19d: {  	s23 =	ssub.s32 s0, s3  }
0x19e: {  	p1 =	slt.s32 s23, $0x1  }
.Ltmp32:
0x19f: {  	_ = 	snop;
	(pc) =	sbr.rel @p1 .LBB2_45-.Ltmp32, $1  }
0x1a0: {  	_ =	sdelay $0x3  }
0x1a1: {  	v8 =	vmov s24;
	s24 =	simm.s32 $0x0;
	s25 =	simm.s32 $0x0  }
.LBB2_42:
0x1a2: {  	p1 =	slt.s32 s22, $0x1  }
0x1a3: {  	s0 =	simm.s32 @!p1 $0x3  }
0x1a4: {  	_ =	swait.ge @!p1 [sflag:s0], $0x800  }
0x1a5: {  	[sflag:s0] =	ssyncset.done @!p1 $0x0  }
0x1a6: {  	s3 =	sshll.u32 s25, $0x4;
	[sflag:s0] =	ssyncadd.s32 @!p1 $0xFFFFF800  }
0x1a7: {  	v10 =	vld [tilespmem:s3+$0x4480];
	_ =	sdelay $0x3  }
0x1a8: {  	s30 =	sshra.s32 s22, $0x1F  }
0x1a9: {  	v11 =	vmov s24;
	s0 =	sshrl.u32 s30, $0x1D;
	v9 =	vshrl.u32 v10, $0xE  }
0x1aa: {  	v11 =	vshll.u32 v11, $0x7;
	s0 =	sadd.s32 s0, s22;
	v9 =	vand.u32 $0x1FF, v9  }
0x1ab: {  	s0 =	sand.u32 $0xFFFFFFF8, s0;
	v11 =	vadd.s32 v9, v11  }
0x1ac: {  	v12 =	vor.u32 s3, v3;
	s0 =	ssub.s32 s22, s0  }
0x1ad: {  	vm0 =	vlt.s32 v12, v8;
	s31 =	sshll.u32 s0, $0x9;
	v10 =	vand.u32 $0x3FFF, v10  }
0x1ae: {  	s3 =	sshra.s32 s31, $0x2;
	v10 =	vsel vm0, v10, v6  }
0x1af: {  	s4 =	simm.s32 $0x1;
	s13 =	sshll.u32 s0, $0xB;
	[tilespmem:s3+$0x1E500] =	vst v10  }
0x1b0: {  	s26 =	simm.s32 $0x0;
	v12 =	vmov s4;
	s3 =	sadd.s32 $0x1E500, s3;
	v10 =	vor.u32 s13, v7;
	s13 =	simm.s32 $0x2;
	v11 =	vld.idx.msk [tilespmem:v11+s20+$0x0], $0xffff  }
.LBB2_43:
0x1b1: {  	p1 =	sne.s32 s13, $0x3F;
	v12 =	vshll.u32 v12, $0x7;
	v13 =	vor.u32 s26, v10;
	s26 =	smov.u32 s4;
	s4 =	smov.u32 s13  }
0x1b2: {  	v14 =	vadd.s32 v9, v12  }
.Ltmp33:
0x1b3: {  	(pc) =	sbr.rel @p1 .LBB2_43-.Ltmp33, $3  }
0x1b4: {  	_ =	sdelay $0x1  }
0x1b5: {  	[tilespmem:v13+s17+$0x0] =	vst.idx.msk $0xffff, v11  }
0x1b6: {  	s13 =	sadd.s32 $0x1, s13;
	v12 =	vmov s4;
	v11 =	vld.idx.msk [tilespmem:v14+s20+$0x0], $0xffff  }
0x1b7: {  	v12 =	vshll.u32 v12, $0x7;
	v13 =	vor.u32 s26, v10  }
0x1b8: {  	v9 =	vadd.s32 v9, v12;
	_ =	sdelay $0x3  }
0x1b9: {  	[tilespmem:v13+s17+$0x0] =	vst.idx.msk $0xffff, v11  }
0x1ba: {  	v10 =	vor.u32 s4, v10;
	s25 =	sadd.s32 $0x1, s25;
	v9 =	vld.idx.msk [tilespmem:v9+s20+$0x0], $0xffff  }
0x1bb: {  	p1 =	sne.s32 s25, s23  }
.Ltmp34:
0x1bc: {  	_ = 	snop;
	(pc) =	sbr.rel @p1 .LBB2_42-.Ltmp34, $4  }
0x1bd: {  	s0 =	sshll.u32 s0, $0xD  }
0x1be: {  	s0 =	sshra.s32 s0, $0x2  }
0x1bf: {  	s22 =	sadd.s32 $0x1, s22;
	s0 =	sadd.s32 $0x1A500, s0;
	[tilespmem:v10+s17+$0x0] =	vst.idx.msk $0xffff, v9  }
0x1c0: {  	[hbm4b:s6+s18] =	stream.indirect.scatter [tilespmem:s0], [sflag:$0x3], $0x80, s3, s18, $0xb8;
	[tilespmem:$0x1E900] =	vst v63  }
.LBB2_45:
0x1c1: {  	p1 =	sgt.s32 s22, $0x0  }
.Ltmp35:
0x1c2: {  	_ = 	snop;
	(pc) =	sbr.rel @p1 .LBB2_47-.Ltmp35, $4  }
.Ltmp36:
0x1c3: {  	_ = 	snop;
	(pc) =	sbr.rel @!p1 .LBB2_48-.Ltmp36, $4  }
0x1c4: {  	_ = 	snop  }
0x1c5: {  	_ = 	snop  }
0x1c6: {  	_ = 	snop  }
0x1c7: {  	_ = 	snop  }
.LBB2_35:
.Ltmp37:
0x1c8: {  	(pc) =	sbr.rel .LBB2_39-.Ltmp37, $2  }
0x1c9: {  	_ =	sdelay $0x2  }
0x1ca: {  	s23 =	simm.s32 $0x0  }
.LBB2_37:
.Ltmp38:
0x1cb: {  	(pc) =	sbr.rel .LBB2_39-.Ltmp38, $2  }
0x1cc: {  	_ =	sdelay $0x2  }
0x1cd: {  	s23 =	simm.s32 $0x0  }
.LBB2_49:
0x1ce: {  	_ =	sfence.sel $0x180000  }
0x1cf: {  	[bflag:$0x0] =	sbarrier.arrive $0xFFFF  }
0x1d0: {  	_ =	strace $0x90000047  }
0x1d1: {  	s0 =	stileid.u32;
	[bflag:$0x2] =	sbarrier.arrive $0xFFFF  }
0x1d2: {  	p0 =	sne.s32 s0, $0x0;
	s0 =	rddreg [dreg:$0x4]  }
0x1d3: {  	s0 =	sadd.s32 @!p0 $0x100000, s0  }
0x1d4: {  	[sflag:s0] =	ssyncadd.tile.s32 @!p0 $0x1;
	_ =	shalt  }
.Lfunc_end2:
_tile_overlayer_lowered:
.L_overlay_start_2:
0x1d5: {  	(tag) =	ssettag $0x2  }
0x1d6: {  	s0 =	rddreg [dreg:$0x0];
	s2 =	stileid.u32  }
0x1d7: {  	s1 =	rddreg [dreg:$0x1];
	p0 =	sne.s32 s2, $0x0  }
0x1d8: {  	s3 =	rddreg [dreg:$0x2];
	[bflag:$0x3] =	sbarrier.arrive $0xFFFF;
	s2 =	simm.s32 @!p0 $0x1C04  }
0x1d9: {  	[timem:s3], [sflag:s2] =	dma.local @!p0 [hbm:s0], s1  }
0x1da: {  	s0 =	simm.s32 @!p0 $0x4  }
0x1db: {  	_ =	swait.ge @!p0 [sflag:s0], s1  }
0x1dc: {  	s1 =	ssub.s32 @!p0 $0x0, s1;
	[sflag:s0] =	ssyncset.done @!p0 $0x0  }
0x1dd: {  	[sflag:s0] =	ssyncadd.s32 @!p0 s1  }
0x1de: {  	[bflag:$0x3] =	sbarrier.arrive $0xFFFF  }
0x1df: {  	_ =	shalt  }

</sc_bundles>
